<compile_context>
chip_gen: v7x
topology: tpu7x:2x2x1
jax: 0.10.2.dev20260603
libtpu: 0.0.44.dev20260713+nightly
codegen_flags: <defaults>
</compile_context>

<pallas_src>
import jax
import jax.numpy as jnp
from jax.experimental import pallas as pl
from jax.experimental.pallas import tpu as pltpu
from jax.experimental.pallas import tpu_sc as plsc

N = 2048
H = 2048
C = 16
V = 3
NEG = C - 1
OFF1 = 683
OFF2 = 1366
BLK = 256
NBLK = N // BLK
SC_CORES = 2
ROWS_PER_CORE = N // SC_CORES
DMA_GROUP = 16


def _mm_stats_body(x_ref, w_ref, b_ref, h_ref, stats_ref):
    i = pl.program_id(0)

    @pl.when(i == 0)
    def _():
        stats_ref[...] = jnp.zeros_like(stats_ref)

    h = jax.lax.dot_general(x_ref[...], w_ref[...], (((1,), (1,)), ((), ())),
                            preferred_element_type=jnp.float32)
    h = h + b_ref[...]
    h_ref[...] = h
    stats_ref[0:1, :] += jnp.sum(h, axis=0, keepdims=True)
    stats_ref[1:2, :] += jnp.sum(h * h, axis=0, keepdims=True)

    @pl.when(i == NBLK - 1)
    def _():
        mean = stats_ref[0:1, :] * (1.0 / N)
        var = stats_ref[1:2, :] * (1.0 / N) - mean * mean
        stats_ref[2:3, :] = mean
        stats_ref[3:4, :] = 1.0 / jnp.sqrt(var + 1e-5)


def _stage1(x, W_t, b_t):
    return pl.pallas_call(
        _mm_stats_body,
        grid=(NBLK,),
        in_specs=[
            pl.BlockSpec((BLK, H), lambda i: (i, 0)),
            pl.BlockSpec((H, H), lambda i: (0, 0)),
            pl.BlockSpec((1, H), lambda i: (0, 0)),
        ],
        out_specs=[
            pl.BlockSpec((BLK, H), lambda i: (i, 0)),
            pl.BlockSpec((8, H), lambda i: (0, 0)),
        ],
        out_shape=[
            jax.ShapeDtypeStruct((N, H), jnp.float32),
            jax.ShapeDtypeStruct((8, H), jnp.float32),
        ],
        interpret=False,
    )(x, W_t, b_t.reshape(1, H))


def _stage2_body(h_ref, stats_ref, g_ref, pw_ref, pb_ref, gam_ref, bet_ref,
                 w_ref, logits_ref, rev_ref, idx_ref):
    i = pl.program_id(0)
    row = i * BLK + jax.lax.broadcasted_iota(jnp.int32, (BLK, 1), 0)
    v = (row >= OFF1).astype(jnp.int32) + (row >= OFF2).astype(jnp.int32)

    hn = (h_ref[...] - stats_ref[2:3, :]) * stats_ref[3:4, :]
    hn = hn * gam_ref[...] + bet_ref[...]
    hn = jnp.maximum(hn, 0.0)

    la = jax.lax.dot_general(hn, pw_ref[...], (((1,), (1,)), ((), ())),
                             preferred_element_type=jnp.float32)
    la = la + pb_ref[...]
    logits = jnp.where(v == 0, la[:, 0:C],
                       jnp.where(v == 1, la[:, C:2 * C], la[:, 2 * C:3 * C]))
    logits_ref[...] = logits

    m = jnp.max(logits, axis=1, keepdims=True)
    e = jnp.exp(logits - m)
    probs = e / jnp.sum(e, axis=1, keepdims=True)
    rev = jnp.square(1.0 - probs)

    wl = (logits + g_ref[...]) / 0.5
    wm = jnp.max(wl, axis=1, keepdims=True)
    we = jnp.exp(wl - wm)
    w = we / jnp.sum(we, axis=1, keepdims=True)
    w_ref[...] = w

    j16 = jax.lax.broadcasted_iota(jnp.int32, (BLK, C), 1)
    wmax = jnp.max(w, axis=1, keepdims=True)
    pos = jnp.min(jnp.where(w == wmax, j16, C), axis=1, keepdims=True)

    idx_ref[...] = v * C + pos

    j15 = jax.lax.broadcasted_iota(jnp.int32, (BLK, NEG), 1)
    rev_sel = jnp.where(j15 < pos, rev[:, 0:NEG], rev[:, 1:C])
    rm = jnp.max(rev_sel, axis=1, keepdims=True)
    re = jnp.exp(rev_sel - rm)
    rev_ref[...] = re / jnp.sum(re, axis=1, keepdims=True)


def _stage2(h, stats, g, proj_w, proj_b, gamma, beta):
    return pl.pallas_call(
        _stage2_body,
        grid=(NBLK,),
        in_specs=[
            pl.BlockSpec((BLK, H), lambda i: (i, 0)),
            pl.BlockSpec((8, H), lambda i: (0, 0)),
            pl.BlockSpec((BLK, C), lambda i: (i, 0)),
            pl.BlockSpec((V * C, H), lambda i: (0, 0)),
            pl.BlockSpec((1, V * C), lambda i: (0, 0)),
            pl.BlockSpec((1, H), lambda i: (0, 0)),
            pl.BlockSpec((1, H), lambda i: (0, 0)),
        ],
        out_specs=[
            pl.BlockSpec((BLK, C), lambda i: (i, 0)),
            pl.BlockSpec((BLK, C), lambda i: (i, 0)),
            pl.BlockSpec((BLK, NEG), lambda i: (i, 0)),
            pl.BlockSpec((BLK, 1), lambda i: (i, 0)),
        ],
        out_shape=[
            jax.ShapeDtypeStruct((N, C), jnp.float32),
            jax.ShapeDtypeStruct((N, C), jnp.float32),
            jax.ShapeDtypeStruct((N, NEG), jnp.float32),
            jax.ShapeDtypeStruct((N, 1), jnp.int32),
        ],
        interpret=False,
    )(h, stats, g, proj_w, proj_b.reshape(1, V * C),
      gamma.reshape(1, H), beta.reshape(1, H))


def _recon_body(w_ref, dict_ref, recon_ref):
    i = pl.program_id(0)
    row = i * BLK + jax.lax.broadcasted_iota(jnp.int32, (BLK, 1), 0)
    v = (row >= OFF1).astype(jnp.int32) + (row >= OFF2).astype(jnp.int32)
    w = w_ref[...]
    zero = jnp.zeros_like(w)
    w48 = jnp.concatenate([
        jnp.where(v == 0, w, zero),
        jnp.where(v == 1, w, zero),
        jnp.where(v == 2, w, zero),
    ], axis=1)
    recon_ref[...] = jax.lax.dot_general(
        w48, dict_ref[...], (((1,), (0,)), ((), ())),
        preferred_element_type=jnp.float32)


def _recon(w, dicts):
    return pl.pallas_call(
        _recon_body,
        grid=(NBLK,),
        in_specs=[
            pl.BlockSpec((BLK, C), lambda i: (i, 0)),
            pl.BlockSpec((V * C, H), lambda i: (0, 0)),
        ],
        out_specs=pl.BlockSpec((BLK, H), lambda i: (i, 0)),
        out_shape=jax.ShapeDtypeStruct((N, H), jnp.float32),
        interpret=False,
    )(w, dicts)


def _precomp_body(dict_ref, p_ref):
    q = pl.program_id(0)
    v = q // C
    p = q - v * C
    for j in range(NEG):
        idx = v * C + j + jnp.where(p <= j, 1, 0)
        p_ref[pl.ds(0, 1), pl.ds(j, 1), :] = dict_ref[pl.ds(idx, 1), :].reshape(1, 1, H)


def _precomp(dicts):
    return pl.pallas_call(
        _precomp_body,
        grid=(V * C,),
        in_specs=[pl.BlockSpec((V * C, H), lambda q: (0, 0))],
        out_specs=pl.BlockSpec((1, NEG, H), lambda q: (q, 0, 0)),
        out_shape=jax.ShapeDtypeStruct((V * C, NEG, H), jnp.float32),
        interpret=False,
    )(dicts)


def _neg_scatter(p_blocks, pc):
    mesh = plsc.ScalarSubcoreMesh(axis_name="core", num_cores=SC_CORES)

    @pl.kernel(out_type=jax.ShapeDtypeStruct((N, NEG, H), jnp.float32),
               mesh=mesh,
               scratch_types=[
                   pltpu.VMEM_SHARED((V * C, NEG, H), jnp.float32),
                   pltpu.SMEM((ROWS_PER_CORE,), jnp.int32),
                   pltpu.SemaphoreType.DMA,
                   pltpu.SemaphoreType.DMA,
               ])
    def k(p_hbm, pc_hbm, o_hbm, p_spmem, pc_smem, sem_in, sem_out):
        cid = jax.lax.axis_index("core")
        base = cid * ROWS_PER_CORE
        pltpu.async_copy(pc_hbm.at[pl.ds(base, ROWS_PER_CORE)], pc_smem, sem_in).wait()
        pltpu.async_copy(p_hbm, p_spmem, sem_in).wait()

        @pl.loop(0, ROWS_PER_CORE, step=DMA_GROUP)
        def _(g):
            for b in range(DMA_GROUP):
                idx = pc_smem[g + b]
                pltpu.make_async_copy(p_spmem.at[idx], o_hbm.at[base + g + b],
                                      sem_out).start()

            @pl.when(g > 0)
            def _():
                for _b in range(DMA_GROUP):
                    pltpu.make_async_copy(p_hbm.at[0], o_hbm.at[0],
                                          sem_out).wait()

        for _b in range(DMA_GROUP):
            pltpu.make_async_copy(p_hbm.at[0], o_hbm.at[0], sem_out).wait()

    return k(p_blocks, pc)


def kernel(x, tags_numbers, dict0, dict1, dict2, W_t, b_t, bn_gamma, bn_beta,
           proj_w0, proj_b0, proj_w1, proj_b1, proj_w2, proj_b2):
    proj_w = jnp.concatenate([proj_w0, proj_w1, proj_w2], axis=0)
    proj_b = jnp.concatenate([proj_b0, proj_b1, proj_b2], axis=0)
    dicts = jnp.concatenate([dict0, dict1, dict2], axis=0)

    gk = jax.random.key(1234)
    U = jax.random.uniform(gk, (N, C), dtype=jnp.float32)
    g = -jnp.log(-jnp.log(U + 1e-20) + 1e-20)

    p_blocks = _precomp(dicts)
    pc_dummy = (x[:, 0] > 0).astype(jnp.int32) * 17
    return _neg_scatter(p_blocks, pc_dummy)
    h, stats = _stage1(x, W_t, b_t)
    w, logits, rev_probs, pc = _stage2(h, stats, g, proj_w, proj_b,
                                       bn_gamma, bn_beta)
    recon = _recon(w, dicts)
    neg_samples = _neg_scatter(p_blocks, pc.reshape(N))
    return w, recon, logits, neg_samples, rev_probs

# --- scband reference (transcript-rebuilt; emitter-appended) ---
"""Pipeline reference for scband-dictionary-learning-gumbel-softmax-multi-view-38182259262175 (READ-ONLY COPY).

The authoritative reference and input builder live on the scoring server;
editing this copy changes nothing except your own understanding.
"""

import jax, jax.numpy as jnp
import numpy as np

H = 2048
C = 16
K = 1
V = 3
N = 2048
TAGS = np.array([683, 683, 682], dtype=np.int64)


def setup_inputs(seed: int = 0):
    key = jax.random.key(seed)
    ks = jax.random.split(key, 20)
    x = jax.random.normal(ks[0], (N, H), dtype=jnp.float32)
    gain = float(np.sqrt(2.0))
    lim_d = gain * float(np.sqrt(6.0 / (C + H)))
    inp = {"x": x, "tags_numbers": jnp.asarray(TAGS)}
    for i in range(V):
        inp[f"dict{i}"] = jax.random.uniform(ks[1 + i], (C, H), minval=-lim_d, maxval=lim_d, dtype=jnp.float32)
    lim_t = float(np.sqrt(1.0 / H))
    inp["W_t"] = jax.random.uniform(ks[4], (H, H), minval=-lim_t, maxval=lim_t, dtype=jnp.float32)
    inp["b_t"] = jax.random.uniform(ks[5], (H,), minval=-lim_t, maxval=lim_t, dtype=jnp.float32)
    inp["bn_gamma"] = jnp.ones((H,), jnp.float32)
    inp["bn_beta"] = jnp.zeros((H,), jnp.float32)
    for i in range(V):
        inp[f"proj_w{i}"] = jax.random.uniform(ks[6 + 2 * i], (C, H), minval=-lim_t, maxval=lim_t, dtype=jnp.float32)
        inp[f"proj_b{i}"] = jax.random.uniform(ks[7 + 2 * i], (C,), minval=-lim_t, maxval=lim_t, dtype=jnp.float32)
    return inp


def _forward(x, W_t, b_t, bn_gamma, bn_beta, dicts, proj_ws, proj_bs, tags, temperature=0.5):
    # dropout is identity here (deterministic reference); transform_nn
    h = x @ W_t.T + b_t
    # BatchNorm1d in training mode: biased batch stats
    mean = h.mean(axis=0)
    var = h.var(axis=0)
    h = (h - mean) / jnp.sqrt(var + 1e-5) * bn_gamma + bn_beta
    h = jax.nn.relu(h)
    offs = np.concatenate([[0], np.cumsum(TAGS)]).astype(int)
    gate = (tags > 0).astype(h.dtype)
    logits_list = []
    for i in range(V):
        if TAGS[i] > 0:
            hi = h[offs[i]:offs[i + 1]]
            logits_list.append((hi @ proj_ws[i].T + proj_bs[i]) * gate[i])
    logits = jnp.concatenate(logits_list, axis=0)
    probs = jax.nn.softmax(logits, axis=1)
    rev = jnp.square(1.0 - probs)
    # gumbel softmax sample (fixed key for determinism)
    gk = jax.random.key(1234)
    U = jax.random.uniform(gk, logits.shape, dtype=logits.dtype)
    g = -jnp.log(-jnp.log(U + 1e-20) + 1e-20)
    w = jax.nn.softmax((logits + g) / temperature, axis=-1)
    _, pos = jax.lax.top_k(w, K)
    pos_oh = jax.nn.one_hot(pos, C, dtype=jnp.int32).sum(axis=1)
    # torch nonzero ordering = ascending column index; jnp.argsort is stable
    neg = jnp.argsort(pos_oh, axis=1)[:, :C - K]
    neg_parts = []
    recon_parts = []
    for i in range(V):
        if TAGS[i] > 0:
            neg_i = neg[offs[i]:offs[i + 1]]
            neg_parts.append(dicts[i][neg_i])
            recon_parts.append(w[offs[i]:offs[i + 1]] @ dicts[i])
    neg_samples = jnp.concatenate(neg_parts, axis=0)
    recon = jnp.concatenate(recon_parts, axis=0)
    rev_sel = jnp.take_along_axis(rev, neg, axis=1)
    rev_probs = jax.nn.softmax(rev_sel, axis=1)
    return w, recon, logits, neg_samples, rev_probs


def reference(x, tags_numbers, dict0, dict1, dict2, W_t, b_t, bn_gamma, bn_beta, proj_w0, proj_b0, proj_w1, proj_b1, proj_w2, proj_b2):
    return _forward(x, W_t, b_t, bn_gamma, bn_beta,
                    [dict0, dict1, dict2],
                    [proj_w0, proj_w1, proj_w2],
                    [proj_b0, proj_b1, proj_b2], tags_numbers)

if __name__ == "__main__":
    import jax
    _d = setup_inputs()
    print(jax.jit(kernel)(*tuple(_d.values())))

</pallas_src>

<mosaic_0001>
#map = affine_map<(d0) -> (0, 0, 0)>
#map1 = affine_map<(d0) -> (0)>
module attributes {stable_mosaic.version = 14 : i64} {
  func.func @k(%arg0: i32, %arg1: memref<48x15x2048xf32, #tpu.memory_space<hbm>>, %arg2: memref<2048xi32, #tpu.memory_space<hbm>>, %arg3: memref<2048x15x2048xf32, #tpu.memory_space<hbm>>, %arg4: memref<48x15x2048xf32, #tpu.memory_space<vmem_shared>>, %arg5: memref<1024xi32, #tpu.memory_space<smem>>, %arg6: memref<!tpu.dma_semaphore, #tpu.memory_space<semaphore_mem>>, %arg7: memref<!tpu.dma_semaphore, #tpu.memory_space<semaphore_mem>>) attributes {dimension_semantics = [#tpu.dimension_semantics<core_parallel>], iteration_bounds = array<i64: 2>, scalar_prefetch = 0 : i64, scratch_operands = 4 : i64, tpu.core_type = #tpu.core_type<sc_scalar_subcore>, window_params = [{transform_indices = #map}, {transform_indices = #map1}, {transform_indices = #map}]} {
    %mul3A = arith.constant 1024 : i32
    %mul3A_0 = arith.muli %arg0, %mul3A : i32
    %dma_start3A = tpu.memref_slice %arg2[%mul3A_0] : memref<2048xi32, #tpu.memory_space<hbm>> -> memref<1024xi32, #tpu.memory_space<hbm>>
    tpu.enqueue_dma source(%dma_start3A : memref<1024xi32, #tpu.memory_space<hbm>>) target(%arg5 : memref<1024xi32, #tpu.memory_space<smem>>) target_semaphore(%arg6 : memref<!tpu.dma_semaphore, #tpu.memory_space<semaphore_mem>>)
    %dma_wait3A = tpu.memref_slice %arg2[%mul3A_0] : memref<2048xi32, #tpu.memory_space<hbm>> -> memref<1024xi32, #tpu.memory_space<hbm>>
    tpu.wait_dma2 semaphore(%arg6 : memref<!tpu.dma_semaphore, #tpu.memory_space<semaphore_mem>>) src(%dma_wait3A : memref<1024xi32, #tpu.memory_space<hbm>>) dst(%arg5 : memref<1024xi32, #tpu.memory_space<smem>>)
    tpu.enqueue_dma source(%arg1 : memref<48x15x2048xf32, #tpu.memory_space<hbm>>) target(%arg4 : memref<48x15x2048xf32, #tpu.memory_space<vmem_shared>>) target_semaphore(%arg6 : memref<!tpu.dma_semaphore, #tpu.memory_space<semaphore_mem>>)
    tpu.wait_dma2 semaphore(%arg6 : memref<!tpu.dma_semaphore, #tpu.memory_space<semaphore_mem>>) src(%arg1 : memref<48x15x2048xf32, #tpu.memory_space<hbm>>) dst(%arg4 : memref<48x15x2048xf32, #tpu.memory_space<vmem_shared>>)
    %scan3A = arith.constant 0 : i32
    %scan3A_1 = arith.constant 64 : i32
    %scan3A_2 = arith.addi %scan3A, %scan3A_1 : i32
    %scan3A_3 = arith.constant 1 : i32
    scf.for %scan3A_165 = %scan3A to %scan3A_2 step %scan3A_3  : i32 {
      %mul3A_166 = arith.constant 16 : i32
      %mul3A_167 = arith.muli %scan3A_165, %mul3A_166 : i32
      %add3A = arith.constant 0 : i32
      %add3A_168 = arith.addi %add3A, %mul3A_167 : i32
      %add3A_169 = arith.constant 0 : i32
      %add3A_170 = arith.addi %add3A_168, %add3A_169 : i32
      %get3A = arith.index_cast %add3A_170 : i32 to index
      %get3A_171 = memref.load %arg5[%get3A] : memref<1024xi32, #tpu.memory_space<smem>>
      %add3A_172 = arith.addi %mul3A_0, %add3A_168 : i32
      %add3A_173 = arith.constant 0 : i32
      %add3A_174 = arith.addi %add3A_172, %add3A_173 : i32
      %dma_start3A_175 = arith.constant 0 : i32
      %dma_start3A_176 = arith.constant 0 : i32
      %dma_start3A_177 = tpu.memref_slice %arg3[%add3A_174, %dma_start3A_175, %dma_start3A_176] : memref<2048x15x2048xf32, #tpu.memory_space<hbm>> -> memref<1x15x2048xf32, #tpu.memory_space<hbm>>
      %dma_start3A_178 = tpu.memref_squeeze %dma_start3A_177 : memref<1x15x2048xf32, #tpu.memory_space<hbm>> -> memref<15x2048xf32, #tpu.memory_space<hbm>>
      %dma_start3A_179 = arith.constant 0 : i32
      %dma_start3A_180 = arith.constant 0 : i32
      %dma_start3A_181 = tpu.memref_slice %arg4[%get3A_171, %dma_start3A_179, %dma_start3A_180] : memref<48x15x2048xf32, #tpu.memory_space<vmem_shared>> -> memref<1x15x2048xf32, #tpu.memory_space<vmem_shared>>
      %dma_start3A_182 = tpu.memref_squeeze %dma_start3A_181 : memref<1x15x2048xf32, #tpu.memory_space<vmem_shared>> -> memref<15x2048xf32, #tpu.memory_space<vmem_shared>>
      tpu.enqueue_dma source(%dma_start3A_182 : memref<15x2048xf32, #tpu.memory_space<vmem_shared>>) target(%dma_start3A_178 : memref<15x2048xf32, #tpu.memory_space<hbm>>) target_semaphore(%arg7 : memref<!tpu.dma_semaphore, #tpu.memory_space<semaphore_mem>>)
      %add3A_183 = arith.constant 1 : i32
      %add3A_184 = arith.addi %add3A_168, %add3A_183 : i32
      %get3A_185 = arith.index_cast %add3A_184 : i32 to index
      %get3A_186 = memref.load %arg5[%get3A_185] : memref<1024xi32, #tpu.memory_space<smem>>
      %add3A_187 = arith.addi %mul3A_0, %add3A_168 : i32
      %add3A_188 = arith.constant 1 : i32
      %add3A_189 = arith.addi %add3A_187, %add3A_188 : i32
      %dma_start3A_190 = arith.constant 0 : i32
      %dma_start3A_191 = arith.constant 0 : i32
      %dma_start3A_192 = tpu.memref_slice %arg3[%add3A_189, %dma_start3A_190, %dma_start3A_191] : memref<2048x15x2048xf32, #tpu.memory_space<hbm>> -> memref<1x15x2048xf32, #tpu.memory_space<hbm>>
      %dma_start3A_193 = tpu.memref_squeeze %dma_start3A_192 : memref<1x15x2048xf32, #tpu.memory_space<hbm>> -> memref<15x2048xf32, #tpu.memory_space<hbm>>
      %dma_start3A_194 = arith.constant 0 : i32
      %dma_start3A_195 = arith.constant 0 : i32
      %dma_start3A_196 = tpu.memref_slice %arg4[%get3A_186, %dma_start3A_194, %dma_start3A_195] : memref<48x15x2048xf32, #tpu.memory_space<vmem_shared>> -> memref<1x15x2048xf32, #tpu.memory_space<vmem_shared>>
      %dma_start3A_197 = tpu.memref_squeeze %dma_start3A_196 : memref<1x15x2048xf32, #tpu.memory_space<vmem_shared>> -> memref<15x2048xf32, #tpu.memory_space<vmem_shared>>
      tpu.enqueue_dma source(%dma_start3A_197 : memref<15x2048xf32, #tpu.memory_space<vmem_shared>>) target(%dma_start3A_193 : memref<15x2048xf32, #tpu.memory_space<hbm>>) target_semaphore(%arg7 : memref<!tpu.dma_semaphore, #tpu.memory_space<semaphore_mem>>)
      %add3A_198 = arith.constant 2 : i32
      %add3A_199 = arith.addi %add3A_168, %add3A_198 : i32
      %get3A_200 = arith.index_cast %add3A_199 : i32 to index
      %get3A_201 = memref.load %arg5[%get3A_200] : memref<1024xi32, #tpu.memory_space<smem>>
      %add3A_202 = arith.addi %mul3A_0, %add3A_168 : i32
      %add3A_203 = arith.constant 2 : i32
      %add3A_204 = arith.addi %add3A_202, %add3A_203 : i32
      %dma_start3A_205 = arith.constant 0 : i32
      %dma_start3A_206 = arith.constant 0 : i32
      %dma_start3A_207 = tpu.memref_slice %arg3[%add3A_204, %dma_start3A_205, %dma_start3A_206] : memref<2048x15x2048xf32, #tpu.memory_space<hbm>> -> memref<1x15x2048xf32, #tpu.memory_space<hbm>>
      %dma_start3A_208 = tpu.memref_squeeze %dma_start3A_207 : memref<1x15x2048xf32, #tpu.memory_space<hbm>> -> memref<15x2048xf32, #tpu.memory_space<hbm>>
      %dma_start3A_209 = arith.constant 0 : i32
      %dma_start3A_210 = arith.constant 0 : i32
      %dma_start3A_211 = tpu.memref_slice %arg4[%get3A_201, %dma_start3A_209, %dma_start3A_210] : memref<48x15x2048xf32, #tpu.memory_space<vmem_shared>> -> memref<1x15x2048xf32, #tpu.memory_space<vmem_shared>>
      %dma_start3A_212 = tpu.memref_squeeze %dma_start3A_211 : memref<1x15x2048xf32, #tpu.memory_space<vmem_shared>> -> memref<15x2048xf32, #tpu.memory_space<vmem_shared>>
      tpu.enqueue_dma source(%dma_start3A_212 : memref<15x2048xf32, #tpu.memory_space<vmem_shared>>) target(%dma_start3A_208 : memref<15x2048xf32, #tpu.memory_space<hbm>>) target_semaphore(%arg7 : memref<!tpu.dma_semaphore, #tpu.memory_space<semaphore_mem>>)
      %add3A_213 = arith.constant 3 : i32
      %add3A_214 = arith.addi %add3A_168, %add3A_213 : i32
      %get3A_215 = arith.index_cast %add3A_214 : i32 to index
      %get3A_216 = memref.load %arg5[%get3A_215] : memref<1024xi32, #tpu.memory_space<smem>>
      %add3A_217 = arith.addi %mul3A_0, %add3A_168 : i32
      %add3A_218 = arith.constant 3 : i32
      %add3A_219 = arith.addi %add3A_217, %add3A_218 : i32
      %dma_start3A_220 = arith.constant 0 : i32
      %dma_start3A_221 = arith.constant 0 : i32
      %dma_start3A_222 = tpu.memref_slice %arg3[%add3A_219, %dma_start3A_220, %dma_start3A_221] : memref<2048x15x2048xf32, #tpu.memory_space<hbm>> -> memref<1x15x2048xf32, #tpu.memory_space<hbm>>
      %dma_start3A_223 = tpu.memref_squeeze %dma_start3A_222 : memref<1x15x2048xf32, #tpu.memory_space<hbm>> -> memref<15x2048xf32, #tpu.memory_space<hbm>>
      %dma_start3A_224 = arith.constant 0 : i32
      %dma_start3A_225 = arith.constant 0 : i32
      %dma_start3A_226 = tpu.memref_slice %arg4[%get3A_216, %dma_start3A_224, %dma_start3A_225] : memref<48x15x2048xf32, #tpu.memory_space<vmem_shared>> -> memref<1x15x2048xf32, #tpu.memory_space<vmem_shared>>
      %dma_start3A_227 = tpu.memref_squeeze %dma_start3A_226 : memref<1x15x2048xf32, #tpu.memory_space<vmem_shared>> -> memref<15x2048xf32, #tpu.memory_space<vmem_shared>>
      tpu.enqueue_dma source(%dma_start3A_227 : memref<15x2048xf32, #tpu.memory_space<vmem_shared>>) target(%dma_start3A_223 : memref<15x2048xf32, #tpu.memory_space<hbm>>) target_semaphore(%arg7 : memref<!tpu.dma_semaphore, #tpu.memory_space<semaphore_mem>>)
      %add3A_228 = arith.constant 4 : i32
      %add3A_229 = arith.addi %add3A_168, %add3A_228 : i32
      %get3A_230 = arith.index_cast %add3A_229 : i32 to index
      %get3A_231 = memref.load %arg5[%get3A_230] : memref<1024xi32, #tpu.memory_space<smem>>
      %add3A_232 = arith.addi %mul3A_0, %add3A_168 : i32
      %add3A_233 = arith.constant 4 : i32
      %add3A_234 = arith.addi %add3A_232, %add3A_233 : i32
      %dma_start3A_235 = arith.constant 0 : i32
      %dma_start3A_236 = arith.constant 0 : i32
      %dma_start3A_237 = tpu.memref_slice %arg3[%add3A_234, %dma_start3A_235, %dma_start3A_236] : memref<2048x15x2048xf32, #tpu.memory_space<hbm>> -> memref<1x15x2048xf32, #tpu.memory_space<hbm>>
      %dma_start3A_238 = tpu.memref_squeeze %dma_start3A_237 : memref<1x15x2048xf32, #tpu.memory_space<hbm>> -> memref<15x2048xf32, #tpu.memory_space<hbm>>
      %dma_start3A_239 = arith.constant 0 : i32
      %dma_start3A_240 = arith.constant 0 : i32
      %dma_start3A_241 = tpu.memref_slice %arg4[%get3A_231, %dma_start3A_239, %dma_start3A_240] : memref<48x15x2048xf32, #tpu.memory_space<vmem_shared>> -> memref<1x15x2048xf32, #tpu.memory_space<vmem_shared>>
      %dma_start3A_242 = tpu.memref_squeeze %dma_start3A_241 : memref<1x15x2048xf32, #tpu.memory_space<vmem_shared>> -> memref<15x2048xf32, #tpu.memory_space<vmem_shared>>
      tpu.enqueue_dma source(%dma_start3A_242 : memref<15x2048xf32, #tpu.memory_space<vmem_shared>>) target(%dma_start3A_238 : memref<15x2048xf32, #tpu.memory_space<hbm>>) target_semaphore(%arg7 : memref<!tpu.dma_semaphore, #tpu.memory_space<semaphore_mem>>)
      %add3A_243 = arith.constant 5 : i32
      %add3A_244 = arith.addi %add3A_168, %add3A_243 : i32
      %get3A_245 = arith.index_cast %add3A_244 : i32 to index
      %get3A_246 = memref.load %arg5[%get3A_245] : memref<1024xi32, #tpu.memory_space<smem>>
      %add3A_247 = arith.addi %mul3A_0, %add3A_168 : i32
      %add3A_248 = arith.constant 5 : i32
      %add3A_249 = arith.addi %add3A_247, %add3A_248 : i32
      %dma_start3A_250 = arith.constant 0 : i32
      %dma_start3A_251 = arith.constant 0 : i32
      %dma_start3A_252 = tpu.memref_slice %arg3[%add3A_249, %dma_start3A_250, %dma_start3A_251] : memref<2048x15x2048xf32, #tpu.memory_space<hbm>> -> memref<1x15x2048xf32, #tpu.memory_space<hbm>>
      %dma_start3A_253 = tpu.memref_squeeze %dma_start3A_252 : memref<1x15x2048xf32, #tpu.memory_space<hbm>> -> memref<15x2048xf32, #tpu.memory_space<hbm>>
      %dma_start3A_254 = arith.constant 0 : i32
      %dma_start3A_255 = arith.constant 0 : i32
      %dma_start3A_256 = tpu.memref_slice %arg4[%get3A_246, %dma_start3A_254, %dma_start3A_255] : memref<48x15x2048xf32, #tpu.memory_space<vmem_shared>> -> memref<1x15x2048xf32, #tpu.memory_space<vmem_shared>>
      %dma_start3A_257 = tpu.memref_squeeze %dma_start3A_256 : memref<1x15x2048xf32, #tpu.memory_space<vmem_shared>> -> memref<15x2048xf32, #tpu.memory_space<vmem_shared>>
      tpu.enqueue_dma source(%dma_start3A_257 : memref<15x2048xf32, #tpu.memory_space<vmem_shared>>) target(%dma_start3A_253 : memref<15x2048xf32, #tpu.memory_space<hbm>>) target_semaphore(%arg7 : memref<!tpu.dma_semaphore, #tpu.memory_space<semaphore_mem>>)
      %add3A_258 = arith.constant 6 : i32
      %add3A_259 = arith.addi %add3A_168, %add3A_258 : i32
      %get3A_260 = arith.index_cast %add3A_259 : i32 to index
      %get3A_261 = memref.load %arg5[%get3A_260] : memref<1024xi32, #tpu.memory_space<smem>>
      %add3A_262 = arith.addi %mul3A_0, %add3A_168 : i32
      %add3A_263 = arith.constant 6 : i32
      %add3A_264 = arith.addi %add3A_262, %add3A_263 : i32
      %dma_start3A_265 = arith.constant 0 : i32
      %dma_start3A_266 = arith.constant 0 : i32
      %dma_start3A_267 = tpu.memref_slice %arg3[%add3A_264, %dma_start3A_265, %dma_start3A_266] : memref<2048x15x2048xf32, #tpu.memory_space<hbm>> -> memref<1x15x2048xf32, #tpu.memory_space<hbm>>
      %dma_start3A_268 = tpu.memref_squeeze %dma_start3A_267 : memref<1x15x2048xf32, #tpu.memory_space<hbm>> -> memref<15x2048xf32, #tpu.memory_space<hbm>>
      %dma_start3A_269 = arith.constant 0 : i32
      %dma_start3A_270 = arith.constant 0 : i32
      %dma_start3A_271 = tpu.memref_slice %arg4[%get3A_261, %dma_start3A_269, %dma_start3A_270] : memref<48x15x2048xf32, #tpu.memory_space<vmem_shared>> -> memref<1x15x2048xf32, #tpu.memory_space<vmem_shared>>
      %dma_start3A_272 = tpu.memref_squeeze %dma_start3A_271 : memref<1x15x2048xf32, #tpu.memory_space<vmem_shared>> -> memref<15x2048xf32, #tpu.memory_space<vmem_shared>>
      tpu.enqueue_dma source(%dma_start3A_272 : memref<15x2048xf32, #tpu.memory_space<vmem_shared>>) target(%dma_start3A_268 : memref<15x2048xf32, #tpu.memory_space<hbm>>) target_semaphore(%arg7 : memref<!tpu.dma_semaphore, #tpu.memory_space<semaphore_mem>>)
      %add3A_273 = arith.constant 7 : i32
      %add3A_274 = arith.addi %add3A_168, %add3A_273 : i32
      %get3A_275 = arith.index_cast %add3A_274 : i32 to index
      %get3A_276 = memref.load %arg5[%get3A_275] : memref<1024xi32, #tpu.memory_space<smem>>
      %add3A_277 = arith.addi %mul3A_0, %add3A_168 : i32
      %add3A_278 = arith.constant 7 : i32
      %add3A_279 = arith.addi %add3A_277, %add3A_278 : i32
      %dma_start3A_280 = arith.constant 0 : i32
      %dma_start3A_281 = arith.constant 0 : i32
      %dma_start3A_282 = tpu.memref_slice %arg3[%add3A_279, %dma_start3A_280, %dma_start3A_281] : memref<2048x15x2048xf32, #tpu.memory_space<hbm>> -> memref<1x15x2048xf32, #tpu.memory_space<hbm>>
      %dma_start3A_283 = tpu.memref_squeeze %dma_start3A_282 : memref<1x15x2048xf32, #tpu.memory_space<hbm>> -> memref<15x2048xf32, #tpu.memory_space<hbm>>
      %dma_start3A_284 = arith.constant 0 : i32
      %dma_start3A_285 = arith.constant 0 : i32
      %dma_start3A_286 = tpu.memref_slice %arg4[%get3A_276, %dma_start3A_284, %dma_start3A_285] : memref<48x15x2048xf32, #tpu.memory_space<vmem_shared>> -> memref<1x15x2048xf32, #tpu.memory_space<vmem_shared>>
      %dma_start3A_287 = tpu.memref_squeeze %dma_start3A_286 : memref<1x15x2048xf32, #tpu.memory_space<vmem_shared>> -> memref<15x2048xf32, #tpu.memory_space<vmem_shared>>
      tpu.enqueue_dma source(%dma_start3A_287 : memref<15x2048xf32, #tpu.memory_space<vmem_shared>>) target(%dma_start3A_283 : memref<15x2048xf32, #tpu.memory_space<hbm>>) target_semaphore(%arg7 : memref<!tpu.dma_semaphore, #tpu.memory_space<semaphore_mem>>)
      %add3A_288 = arith.constant 8 : i32
      %add3A_289 = arith.addi %add3A_168, %add3A_288 : i32
      %get3A_290 = arith.index_cast %add3A_289 : i32 to index
      %get3A_291 = memref.load %arg5[%get3A_290] : memref<1024xi32, #tpu.memory_space<smem>>
      %add3A_292 = arith.addi %mul3A_0, %add3A_168 : i32
      %add3A_293 = arith.constant 8 : i32
      %add3A_294 = arith.addi %add3A_292, %add3A_293 : i32
      %dma_start3A_295 = arith.constant 0 : i32
      %dma_start3A_296 = arith.constant 0 : i32
      %dma_start3A_297 = tpu.memref_slice %arg3[%add3A_294, %dma_start3A_295, %dma_start3A_296] : memref<2048x15x2048xf32, #tpu.memory_space<hbm>> -> memref<1x15x2048xf32, #tpu.memory_space<hbm>>
      %dma_start3A_298 = tpu.memref_squeeze %dma_start3A_297 : memref<1x15x2048xf32, #tpu.memory_space<hbm>> -> memref<15x2048xf32, #tpu.memory_space<hbm>>
      %dma_start3A_299 = arith.constant 0 : i32
      %dma_start3A_300 = arith.constant 0 : i32
      %dma_start3A_301 = tpu.memref_slice %arg4[%get3A_291, %dma_start3A_299, %dma_start3A_300] : memref<48x15x2048xf32, #tpu.memory_space<vmem_shared>> -> memref<1x15x2048xf32, #tpu.memory_space<vmem_shared>>
      %dma_start3A_302 = tpu.memref_squeeze %dma_start3A_301 : memref<1x15x2048xf32, #tpu.memory_space<vmem_shared>> -> memref<15x2048xf32, #tpu.memory_space<vmem_shared>>
      tpu.enqueue_dma source(%dma_start3A_302 : memref<15x2048xf32, #tpu.memory_space<vmem_shared>>) target(%dma_start3A_298 : memref<15x2048xf32, #tpu.memory_space<hbm>>) target_semaphore(%arg7 : memref<!tpu.dma_semaphore, #tpu.memory_space<semaphore_mem>>)
      %add3A_303 = arith.constant 9 : i32
      %add3A_304 = arith.addi %add3A_168, %add3A_303 : i32
      %get3A_305 = arith.index_cast %add3A_304 : i32 to index
      %get3A_306 = memref.load %arg5[%get3A_305] : memref<1024xi32, #tpu.memory_space<smem>>
      %add3A_307 = arith.addi %mul3A_0, %add3A_168 : i32
      %add3A_308 = arith.constant 9 : i32
      %add3A_309 = arith.addi %add3A_307, %add3A_308 : i32
      %dma_start3A_310 = arith.constant 0 : i32
      %dma_start3A_311 = arith.constant 0 : i32
      %dma_start3A_312 = tpu.memref_slice %arg3[%add3A_309, %dma_start3A_310, %dma_start3A_311] : memref<2048x15x2048xf32, #tpu.memory_space<hbm>> -> memref<1x15x2048xf32, #tpu.memory_space<hbm>>
      %dma_start3A_313 = tpu.memref_squeeze %dma_start3A_312 : memref<1x15x2048xf32, #tpu.memory_space<hbm>> -> memref<15x2048xf32, #tpu.memory_space<hbm>>
      %dma_start3A_314 = arith.constant 0 : i32
      %dma_start3A_315 = arith.constant 0 : i32
      %dma_start3A_316 = tpu.memref_slice %arg4[%get3A_306, %dma_start3A_314, %dma_start3A_315] : memref<48x15x2048xf32, #tpu.memory_space<vmem_shared>> -> memref<1x15x2048xf32, #tpu.memory_space<vmem_shared>>
      %dma_start3A_317 = tpu.memref_squeeze %dma_start3A_316 : memref<1x15x2048xf32, #tpu.memory_space<vmem_shared>> -> memref<15x2048xf32, #tpu.memory_space<vmem_shared>>
      tpu.enqueue_dma source(%dma_start3A_317 : memref<15x2048xf32, #tpu.memory_space<vmem_shared>>) target(%dma_start3A_313 : memref<15x2048xf32, #tpu.memory_space<hbm>>) target_semaphore(%arg7 : memref<!tpu.dma_semaphore, #tpu.memory_space<semaphore_mem>>)
      %add3A_318 = arith.constant 10 : i32
      %add3A_319 = arith.addi %add3A_168, %add3A_318 : i32
      %get3A_320 = arith.index_cast %add3A_319 : i32 to index
      %get3A_321 = memref.load %arg5[%get3A_320] : memref<1024xi32, #tpu.memory_space<smem>>
      %add3A_322 = arith.addi %mul3A_0, %add3A_168 : i32
      %add3A_323 = arith.constant 10 : i32
      %add3A_324 = arith.addi %add3A_322, %add3A_323 : i32
      %dma_start3A_325 = arith.constant 0 : i32
      %dma_start3A_326 = arith.constant 0 : i32
      %dma_start3A_327 = tpu.memref_slice %arg3[%add3A_324, %dma_start3A_325, %dma_start3A_326] : memref<2048x15x2048xf32, #tpu.memory_space<hbm>> -> memref<1x15x2048xf32, #tpu.memory_space<hbm>>
      %dma_start3A_328 = tpu.memref_squeeze %dma_start3A_327 : memref<1x15x2048xf32, #tpu.memory_space<hbm>> -> memref<15x2048xf32, #tpu.memory_space<hbm>>
      %dma_start3A_329 = arith.constant 0 : i32
      %dma_start3A_330 = arith.constant 0 : i32
      %dma_start3A_331 = tpu.memref_slice %arg4[%get3A_321, %dma_start3A_329, %dma_start3A_330] : memref<48x15x2048xf32, #tpu.memory_space<vmem_shared>> -> memref<1x15x2048xf32, #tpu.memory_space<vmem_shared>>
      %dma_start3A_332 = tpu.memref_squeeze %dma_start3A_331 : memref<1x15x2048xf32, #tpu.memory_space<vmem_shared>> -> memref<15x2048xf32, #tpu.memory_space<vmem_shared>>
      tpu.enqueue_dma source(%dma_start3A_332 : memref<15x2048xf32, #tpu.memory_space<vmem_shared>>) target(%dma_start3A_328 : memref<15x2048xf32, #tpu.memory_space<hbm>>) target_semaphore(%arg7 : memref<!tpu.dma_semaphore, #tpu.memory_space<semaphore_mem>>)
      %add3A_333 = arith.constant 11 : i32
      %add3A_334 = arith.addi %add3A_168, %add3A_333 : i32
      %get3A_335 = arith.index_cast %add3A_334 : i32 to index
      %get3A_336 = memref.load %arg5[%get3A_335] : memref<1024xi32, #tpu.memory_space<smem>>
      %add3A_337 = arith.addi %mul3A_0, %add3A_168 : i32
      %add3A_338 = arith.constant 11 : i32
      %add3A_339 = arith.addi %add3A_337, %add3A_338 : i32
      %dma_start3A_340 = arith.constant 0 : i32
      %dma_start3A_341 = arith.constant 0 : i32
      %dma_start3A_342 = tpu.memref_slice %arg3[%add3A_339, %dma_start3A_340, %dma_start3A_341] : memref<2048x15x2048xf32, #tpu.memory_space<hbm>> -> memref<1x15x2048xf32, #tpu.memory_space<hbm>>
      %dma_start3A_343 = tpu.memref_squeeze %dma_start3A_342 : memref<1x15x2048xf32, #tpu.memory_space<hbm>> -> memref<15x2048xf32, #tpu.memory_space<hbm>>
      %dma_start3A_344 = arith.constant 0 : i32
      %dma_start3A_345 = arith.constant 0 : i32
      %dma_start3A_346 = tpu.memref_slice %arg4[%get3A_336, %dma_start3A_344, %dma_start3A_345] : memref<48x15x2048xf32, #tpu.memory_space<vmem_shared>> -> memref<1x15x2048xf32, #tpu.memory_space<vmem_shared>>
      %dma_start3A_347 = tpu.memref_squeeze %dma_start3A_346 : memref<1x15x2048xf32, #tpu.memory_space<vmem_shared>> -> memref<15x2048xf32, #tpu.memory_space<vmem_shared>>
      tpu.enqueue_dma source(%dma_start3A_347 : memref<15x2048xf32, #tpu.memory_space<vmem_shared>>) target(%dma_start3A_343 : memref<15x2048xf32, #tpu.memory_space<hbm>>) target_semaphore(%arg7 : memref<!tpu.dma_semaphore, #tpu.memory_space<semaphore_mem>>)
      %add3A_348 = arith.constant 12 : i32
      %add3A_349 = arith.addi %add3A_168, %add3A_348 : i32
      %get3A_350 = arith.index_cast %add3A_349 : i32 to index
      %get3A_351 = memref.load %arg5[%get3A_350] : memref<1024xi32, #tpu.memory_space<smem>>
      %add3A_352 = arith.addi %mul3A_0, %add3A_168 : i32
      %add3A_353 = arith.constant 12 : i32
      %add3A_354 = arith.addi %add3A_352, %add3A_353 : i32
      %dma_start3A_355 = arith.constant 0 : i32
      %dma_start3A_356 = arith.constant 0 : i32
      %dma_start3A_357 = tpu.memref_slice %arg3[%add3A_354, %dma_start3A_355, %dma_start3A_356] : memref<2048x15x2048xf32, #tpu.memory_space<hbm>> -> memref<1x15x2048xf32, #tpu.memory_space<hbm>>
      %dma_start3A_358 = tpu.memref_squeeze %dma_start3A_357 : memref<1x15x2048xf32, #tpu.memory_space<hbm>> -> memref<15x2048xf32, #tpu.memory_space<hbm>>
      %dma_start3A_359 = arith.constant 0 : i32
      %dma_start3A_360 = arith.constant 0 : i32
      %dma_start3A_361 = tpu.memref_slice %arg4[%get3A_351, %dma_start3A_359, %dma_start3A_360] : memref<48x15x2048xf32, #tpu.memory_space<vmem_shared>> -> memref<1x15x2048xf32, #tpu.memory_space<vmem_shared>>
      %dma_start3A_362 = tpu.memref_squeeze %dma_start3A_361 : memref<1x15x2048xf32, #tpu.memory_space<vmem_shared>> -> memref<15x2048xf32, #tpu.memory_space<vmem_shared>>
      tpu.enqueue_dma source(%dma_start3A_362 : memref<15x2048xf32, #tpu.memory_space<vmem_shared>>) target(%dma_start3A_358 : memref<15x2048xf32, #tpu.memory_space<hbm>>) target_semaphore(%arg7 : memref<!tpu.dma_semaphore, #tpu.memory_space<semaphore_mem>>)
      %add3A_363 = arith.constant 13 : i32
      %add3A_364 = arith.addi %add3A_168, %add3A_363 : i32
      %get3A_365 = arith.index_cast %add3A_364 : i32 to index
      %get3A_366 = memref.load %arg5[%get3A_365] : memref<1024xi32, #tpu.memory_space<smem>>
      %add3A_367 = arith.addi %mul3A_0, %add3A_168 : i32
      %add3A_368 = arith.constant 13 : i32
      %add3A_369 = arith.addi %add3A_367, %add3A_368 : i32
      %dma_start3A_370 = arith.constant 0 : i32
      %dma_start3A_371 = arith.constant 0 : i32
      %dma_start3A_372 = tpu.memref_slice %arg3[%add3A_369, %dma_start3A_370, %dma_start3A_371] : memref<2048x15x2048xf32, #tpu.memory_space<hbm>> -> memref<1x15x2048xf32, #tpu.memory_space<hbm>>
      %dma_start3A_373 = tpu.memref_squeeze %dma_start3A_372 : memref<1x15x2048xf32, #tpu.memory_space<hbm>> -> memref<15x2048xf32, #tpu.memory_space<hbm>>
      %dma_start3A_374 = arith.constant 0 : i32
      %dma_start3A_375 = arith.constant 0 : i32
      %dma_start3A_376 = tpu.memref_slice %arg4[%get3A_366, %dma_start3A_374, %dma_start3A_375] : memref<48x15x2048xf32, #tpu.memory_space<vmem_shared>> -> memref<1x15x2048xf32, #tpu.memory_space<vmem_shared>>
      %dma_start3A_377 = tpu.memref_squeeze %dma_start3A_376 : memref<1x15x2048xf32, #tpu.memory_space<vmem_shared>> -> memref<15x2048xf32, #tpu.memory_space<vmem_shared>>
      tpu.enqueue_dma source(%dma_start3A_377 : memref<15x2048xf32, #tpu.memory_space<vmem_shared>>) target(%dma_start3A_373 : memref<15x2048xf32, #tpu.memory_space<hbm>>) target_semaphore(%arg7 : memref<!tpu.dma_semaphore, #tpu.memory_space<semaphore_mem>>)
      %add3A_378 = arith.constant 14 : i32
      %add3A_379 = arith.addi %add3A_168, %add3A_378 : i32
      %get3A_380 = arith.index_cast %add3A_379 : i32 to index
      %get3A_381 = memref.load %arg5[%get3A_380] : memref<1024xi32, #tpu.memory_space<smem>>
      %add3A_382 = arith.addi %mul3A_0, %add3A_168 : i32
      %add3A_383 = arith.constant 14 : i32
      %add3A_384 = arith.addi %add3A_382, %add3A_383 : i32
      %dma_start3A_385 = arith.constant 0 : i32
      %dma_start3A_386 = arith.constant 0 : i32
      %dma_start3A_387 = tpu.memref_slice %arg3[%add3A_384, %dma_start3A_385, %dma_start3A_386] : memref<2048x15x2048xf32, #tpu.memory_space<hbm>> -> memref<1x15x2048xf32, #tpu.memory_space<hbm>>
      %dma_start3A_388 = tpu.memref_squeeze %dma_start3A_387 : memref<1x15x2048xf32, #tpu.memory_space<hbm>> -> memref<15x2048xf32, #tpu.memory_space<hbm>>
      %dma_start3A_389 = arith.constant 0 : i32
      %dma_start3A_390 = arith.constant 0 : i32
      %dma_start3A_391 = tpu.memref_slice %arg4[%get3A_381, %dma_start3A_389, %dma_start3A_390] : memref<48x15x2048xf32, #tpu.memory_space<vmem_shared>> -> memref<1x15x2048xf32, #tpu.memory_space<vmem_shared>>
      %dma_start3A_392 = tpu.memref_squeeze %dma_start3A_391 : memref<1x15x2048xf32, #tpu.memory_space<vmem_shared>> -> memref<15x2048xf32, #tpu.memory_space<vmem_shared>>
      tpu.enqueue_dma source(%dma_start3A_392 : memref<15x2048xf32, #tpu.memory_space<vmem_shared>>) target(%dma_start3A_388 : memref<15x2048xf32, #tpu.memory_space<hbm>>) target_semaphore(%arg7 : memref<!tpu.dma_semaphore, #tpu.memory_space<semaphore_mem>>)
      %add3A_393 = arith.constant 15 : i32
      %add3A_394 = arith.addi %add3A_168, %add3A_393 : i32
      %get3A_395 = arith.index_cast %add3A_394 : i32 to index
      %get3A_396 = memref.load %arg5[%get3A_395] : memref<1024xi32, #tpu.memory_space<smem>>
      %add3A_397 = arith.addi %mul3A_0, %add3A_168 : i32
      %add3A_398 = arith.constant 15 : i32
      %add3A_399 = arith.addi %add3A_397, %add3A_398 : i32
      %dma_start3A_400 = arith.constant 0 : i32
      %dma_start3A_401 = arith.constant 0 : i32
      %dma_start3A_402 = tpu.memref_slice %arg3[%add3A_399, %dma_start3A_400, %dma_start3A_401] : memref<2048x15x2048xf32, #tpu.memory_space<hbm>> -> memref<1x15x2048xf32, #tpu.memory_space<hbm>>
      %dma_start3A_403 = tpu.memref_squeeze %dma_start3A_402 : memref<1x15x2048xf32, #tpu.memory_space<hbm>> -> memref<15x2048xf32, #tpu.memory_space<hbm>>
      %dma_start3A_404 = arith.constant 0 : i32
      %dma_start3A_405 = arith.constant 0 : i32
      %dma_start3A_406 = tpu.memref_slice %arg4[%get3A_396, %dma_start3A_404, %dma_start3A_405] : memref<48x15x2048xf32, #tpu.memory_space<vmem_shared>> -> memref<1x15x2048xf32, #tpu.memory_space<vmem_shared>>
      %dma_start3A_407 = tpu.memref_squeeze %dma_start3A_406 : memref<1x15x2048xf32, #tpu.memory_space<vmem_shared>> -> memref<15x2048xf32, #tpu.memory_space<vmem_shared>>
      tpu.enqueue_dma source(%dma_start3A_407 : memref<15x2048xf32, #tpu.memory_space<vmem_shared>>) target(%dma_start3A_403 : memref<15x2048xf32, #tpu.memory_space<hbm>>) target_semaphore(%arg7 : memref<!tpu.dma_semaphore, #tpu.memory_space<semaphore_mem>>)
      %gt3A = arith.constant 0 : i32
      %gt3A_408 = arith.cmpi sgt, %add3A_168, %gt3A : i32
      %convert_element_type3A = arith.extui %gt3A_408 : i1 to i32
      %cond3A = arith.constant 0 : i32
      %cond3A_409 = arith.cmpi ne, %convert_element_type3A, %cond3A : i32
      scf.if %cond3A_409 {
        %dma_wait3A_410 = arith.constant 0 : i32
        %dma_wait3A_411 = arith.constant 0 : i32
        %dma_wait3A_412 = arith.constant 0 : i32
        %dma_wait3A_413 = arith.constant 0 : i32
        %dma_wait3A_414 = tpu.memref_slice %arg3[%dma_wait3A_411, %dma_wait3A_412, %dma_wait3A_413] : memref<2048x15x2048xf32, #tpu.memory_space<hbm>> -> memref<1x15x2048xf32, #tpu.memory_space<hbm>>
        %dma_wait3A_415 = tpu.memref_squeeze %dma_wait3A_414 : memref<1x15x2048xf32, #tpu.memory_space<hbm>> -> memref<15x2048xf32, #tpu.memory_space<hbm>>
        %dma_wait3A_416 = arith.constant 0 : i32
        %dma_wait3A_417 = arith.constant 0 : i32
        %dma_wait3A_418 = tpu.memref_slice %arg1[%dma_wait3A_410, %dma_wait3A_416, %dma_wait3A_417] : memref<48x15x2048xf32, #tpu.memory_space<hbm>> -> memref<1x15x2048xf32, #tpu.memory_space<hbm>>
        %dma_wait3A_419 = tpu.memref_squeeze %dma_wait3A_418 : memref<1x15x2048xf32, #tpu.memory_space<hbm>> -> memref<15x2048xf32, #tpu.memory_space<hbm>>
        tpu.wait_dma2 semaphore(%arg7 : memref<!tpu.dma_semaphore, #tpu.memory_space<semaphore_mem>>) src(%dma_wait3A_419 : memref<15x2048xf32, #tpu.memory_space<hbm>>) dst(%dma_wait3A_415 : memref<15x2048xf32, #tpu.memory_space<hbm>>)
        %dma_wait3A_420 = arith.constant 0 : i32
        %dma_wait3A_421 = arith.constant 0 : i32
        %dma_wait3A_422 = arith.constant 0 : i32
        %dma_wait3A_423 = arith.constant 0 : i32
        %dma_wait3A_424 = tpu.memref_slice %arg3[%dma_wait3A_421, %dma_wait3A_422, %dma_wait3A_423] : memref<2048x15x2048xf32, #tpu.memory_space<hbm>> -> memref<1x15x2048xf32, #tpu.memory_space<hbm>>
        %dma_wait3A_425 = tpu.memref_squeeze %dma_wait3A_424 : memref<1x15x2048xf32, #tpu.memory_space<hbm>> -> memref<15x2048xf32, #tpu.memory_space<hbm>>
        %dma_wait3A_426 = arith.constant 0 : i32
        %dma_wait3A_427 = arith.constant 0 : i32
        %dma_wait3A_428 = tpu.memref_slice %arg1[%dma_wait3A_420, %dma_wait3A_426, %dma_wait3A_427] : memref<48x15x2048xf32, #tpu.memory_space<hbm>> -> memref<1x15x2048xf32, #tpu.memory_space<hbm>>
        %dma_wait3A_429 = tpu.memref_squeeze %dma_wait3A_428 : memref<1x15x2048xf32, #tpu.memory_space<hbm>> -> memref<15x2048xf32, #tpu.memory_space<hbm>>
        tpu.wait_dma2 semaphore(%arg7 : memref<!tpu.dma_semaphore, #tpu.memory_space<semaphore_mem>>) src(%dma_wait3A_429 : memref<15x2048xf32, #tpu.memory_space<hbm>>) dst(%dma_wait3A_425 : memref<15x2048xf32, #tpu.memory_space<hbm>>)
        %dma_wait3A_430 = arith.constant 0 : i32
        %dma_wait3A_431 = arith.constant 0 : i32
        %dma_wait3A_432 = arith.constant 0 : i32
        %dma_wait3A_433 = arith.constant 0 : i32
        %dma_wait3A_434 = tpu.memref_slice %arg3[%dma_wait3A_431, %dma_wait3A_432, %dma_wait3A_433] : memref<2048x15x2048xf32, #tpu.memory_space<hbm>> -> memref<1x15x2048xf32, #tpu.memory_space<hbm>>
        %dma_wait3A_435 = tpu.memref_squeeze %dma_wait3A_434 : memref<1x15x2048xf32, #tpu.memory_space<hbm>> -> memref<15x2048xf32, #tpu.memory_space<hbm>>
        %dma_wait3A_436 = arith.constant 0 : i32
        %dma_wait3A_437 = arith.constant 0 : i32
        %dma_wait3A_438 = tpu.memref_slice %arg1[%dma_wait3A_430, %dma_wait3A_436, %dma_wait3A_437] : memref<48x15x2048xf32, #tpu.memory_space<hbm>> -> memref<1x15x2048xf32, #tpu.memory_space<hbm>>
        %dma_wait3A_439 = tpu.memref_squeeze %dma_wait3A_438 : memref<1x15x2048xf32, #tpu.memory_space<hbm>> -> memref<15x2048xf32, #tpu.memory_space<hbm>>
        tpu.wait_dma2 semaphore(%arg7 : memref<!tpu.dma_semaphore, #tpu.memory_space<semaphore_mem>>) src(%dma_wait3A_439 : memref<15x2048xf32, #tpu.memory_space<hbm>>) dst(%dma_wait3A_435 : memref<15x2048xf32, #tpu.memory_space<hbm>>)
        %dma_wait3A_440 = arith.constant 0 : i32
        %dma_wait3A_441 = arith.constant 0 : i32
        %dma_wait3A_442 = arith.constant 0 : i32
        %dma_wait3A_443 = arith.constant 0 : i32
        %dma_wait3A_444 = tpu.memref_slice %arg3[%dma_wait3A_441, %dma_wait3A_442, %dma_wait3A_443] : memref<2048x15x2048xf32, #tpu.memory_space<hbm>> -> memref<1x15x2048xf32, #tpu.memory_space<hbm>>
        %dma_wait3A_445 = tpu.memref_squeeze %dma_wait3A_444 : memref<1x15x2048xf32, #tpu.memory_space<hbm>> -> memref<15x2048xf32, #tpu.memory_space<hbm>>
        %dma_wait3A_446 = arith.constant 0 : i32
        %dma_wait3A_447 = arith.constant 0 : i32
        %dma_wait3A_448 = tpu.memref_slice %arg1[%dma_wait3A_440, %dma_wait3A_446, %dma_wait3A_447] : memref<48x15x2048xf32, #tpu.memory_space<hbm>> -> memref<1x15x2048xf32, #tpu.memory_space<hbm>>
        %dma_wait3A_449 = tpu.memref_squeeze %dma_wait3A_448 : memref<1x15x2048xf32, #tpu.memory_space<hbm>> -> memref<15x2048xf32, #tpu.memory_space<hbm>>
        tpu.wait_dma2 semaphore(%arg7 : memref<!tpu.dma_semaphore, #tpu.memory_space<semaphore_mem>>) src(%dma_wait3A_449 : memref<15x2048xf32, #tpu.memory_space<hbm>>) dst(%dma_wait3A_445 : memref<15x2048xf32, #tpu.memory_space<hbm>>)
        %dma_wait3A_450 = arith.constant 0 : i32
        %dma_wait3A_451 = arith.constant 0 : i32
        %dma_wait3A_452 = arith.constant 0 : i32
        %dma_wait3A_453 = arith.constant 0 : i32
        %dma_wait3A_454 = tpu.memref_slice %arg3[%dma_wait3A_451, %dma_wait3A_452, %dma_wait3A_453] : memref<2048x15x2048xf32, #tpu.memory_space<hbm>> -> memref<1x15x2048xf32, #tpu.memory_space<hbm>>
        %dma_wait3A_455 = tpu.memref_squeeze %dma_wait3A_454 : memref<1x15x2048xf32, #tpu.memory_space<hbm>> -> memref<15x2048xf32, #tpu.memory_space<hbm>>
        %dma_wait3A_456 = arith.constant 0 : i32
        %dma_wait3A_457 = arith.constant 0 : i32
        %dma_wait3A_458 = tpu.memref_slice %arg1[%dma_wait3A_450, %dma_wait3A_456, %dma_wait3A_457] : memref<48x15x2048xf32, #tpu.memory_space<hbm>> -> memref<1x15x2048xf32, #tpu.memory_space<hbm>>
        %dma_wait3A_459 = tpu.memref_squeeze %dma_wait3A_458 : memref<1x15x2048xf32, #tpu.memory_space<hbm>> -> memref<15x2048xf32, #tpu.memory_space<hbm>>
        tpu.wait_dma2 semaphore(%arg7 : memref<!tpu.dma_semaphore, #tpu.memory_space<semaphore_mem>>) src(%dma_wait3A_459 : memref<15x2048xf32, #tpu.memory_space<hbm>>) dst(%dma_wait3A_455 : memref<15x2048xf32, #tpu.memory_space<hbm>>)
        %dma_wait3A_460 = arith.constant 0 : i32
        %dma_wait3A_461 = arith.constant 0 : i32
        %dma_wait3A_462 = arith.constant 0 : i32
        %dma_wait3A_463 = arith.constant 0 : i32
        %dma_wait3A_464 = tpu.memref_slice %arg3[%dma_wait3A_461, %dma_wait3A_462, %dma_wait3A_463] : memref<2048x15x2048xf32, #tpu.memory_space<hbm>> -> memref<1x15x2048xf32, #tpu.memory_space<hbm>>
        %dma_wait3A_465 = tpu.memref_squeeze %dma_wait3A_464 : memref<1x15x2048xf32, #tpu.memory_space<hbm>> -> memref<15x2048xf32, #tpu.memory_space<hbm>>
        %dma_wait3A_466 = arith.constant 0 : i32
        %dma_wait3A_467 = arith.constant 0 : i32
        %dma_wait3A_468 = tpu.memref_slice %arg1[%dma_wait3A_460, %dma_wait3A_466, %dma_wait3A_467] : memref<48x15x2048xf32, #tpu.memory_space<hbm>> -> memref<1x15x2048xf32, #tpu.memory_space<hbm>>
        %dma_wait3A_469 = tpu.memref_squeeze %dma_wait3A_468 : memref<1x15x2048xf32, #tpu.memory_space<hbm>> -> memref<15x2048xf32, #tpu.memory_space<hbm>>
        tpu.wait_dma2 semaphore(%arg7 : memref<!tpu.dma_semaphore, #tpu.memory_space<semaphore_mem>>) src(%dma_wait3A_469 : memref<15x2048xf32, #tpu.memory_space<hbm>>) dst(%dma_wait3A_465 : memref<15x2048xf32, #tpu.memory_space<hbm>>)
        %dma_wait3A_470 = arith.constant 0 : i32
        %dma_wait3A_471 = arith.constant 0 : i32
        %dma_wait3A_472 = arith.constant 0 : i32
        %dma_wait3A_473 = arith.constant 0 : i32
        %dma_wait3A_474 = tpu.memref_slice %arg3[%dma_wait3A_471, %dma_wait3A_472, %dma_wait3A_473] : memref<2048x15x2048xf32, #tpu.memory_space<hbm>> -> memref<1x15x2048xf32, #tpu.memory_space<hbm>>
        %dma_wait3A_475 = tpu.memref_squeeze %dma_wait3A_474 : memref<1x15x2048xf32, #tpu.memory_space<hbm>> -> memref<15x2048xf32, #tpu.memory_space<hbm>>
        %dma_wait3A_476 = arith.constant 0 : i32
        %dma_wait3A_477 = arith.constant 0 : i32
        %dma_wait3A_478 = tpu.memref_slice %arg1[%dma_wait3A_470, %dma_wait3A_476, %dma_wait3A_477] : memref<48x15x2048xf32, #tpu.memory_space<hbm>> -> memref<1x15x2048xf32, #tpu.memory_space<hbm>>
        %dma_wait3A_479 = tpu.memref_squeeze %dma_wait3A_478 : memref<1x15x2048xf32, #tpu.memory_space<hbm>> -> memref<15x2048xf32, #tpu.memory_space<hbm>>
        tpu.wait_dma2 semaphore(%arg7 : memref<!tpu.dma_semaphore, #tpu.memory_space<semaphore_mem>>) src(%dma_wait3A_479 : memref<15x2048xf32, #tpu.memory_space<hbm>>) dst(%dma_wait3A_475 : memref<15x2048xf32, #tpu.memory_space<hbm>>)
        %dma_wait3A_480 = arith.constant 0 : i32
        %dma_wait3A_481 = arith.constant 0 : i32
        %dma_wait3A_482 = arith.constant 0 : i32
        %dma_wait3A_483 = arith.constant 0 : i32
        %dma_wait3A_484 = tpu.memref_slice %arg3[%dma_wait3A_481, %dma_wait3A_482, %dma_wait3A_483] : memref<2048x15x2048xf32, #tpu.memory_space<hbm>> -> memref<1x15x2048xf32, #tpu.memory_space<hbm>>
        %dma_wait3A_485 = tpu.memref_squeeze %dma_wait3A_484 : memref<1x15x2048xf32, #tpu.memory_space<hbm>> -> memref<15x2048xf32, #tpu.memory_space<hbm>>
        %dma_wait3A_486 = arith.constant 0 : i32
        %dma_wait3A_487 = arith.constant 0 : i32
        %dma_wait3A_488 = tpu.memref_slice %arg1[%dma_wait3A_480, %dma_wait3A_486, %dma_wait3A_487] : memref<48x15x2048xf32, #tpu.memory_space<hbm>> -> memref<1x15x2048xf32, #tpu.memory_space<hbm>>
        %dma_wait3A_489 = tpu.memref_squeeze %dma_wait3A_488 : memref<1x15x2048xf32, #tpu.memory_space<hbm>> -> memref<15x2048xf32, #tpu.memory_space<hbm>>
        tpu.wait_dma2 semaphore(%arg7 : memref<!tpu.dma_semaphore, #tpu.memory_space<semaphore_mem>>) src(%dma_wait3A_489 : memref<15x2048xf32, #tpu.memory_space<hbm>>) dst(%dma_wait3A_485 : memref<15x2048xf32, #tpu.memory_space<hbm>>)
        %dma_wait3A_490 = arith.constant 0 : i32
        %dma_wait3A_491 = arith.constant 0 : i32
        %dma_wait3A_492 = arith.constant 0 : i32
        %dma_wait3A_493 = arith.constant 0 : i32
        %dma_wait3A_494 = tpu.memref_slice %arg3[%dma_wait3A_491, %dma_wait3A_492, %dma_wait3A_493] : memref<2048x15x2048xf32, #tpu.memory_space<hbm>> -> memref<1x15x2048xf32, #tpu.memory_space<hbm>>
        %dma_wait3A_495 = tpu.memref_squeeze %dma_wait3A_494 : memref<1x15x2048xf32, #tpu.memory_space<hbm>> -> memref<15x2048xf32, #tpu.memory_space<hbm>>
        %dma_wait3A_496 = arith.constant 0 : i32
        %dma_wait3A_497 = arith.constant 0 : i32
        %dma_wait3A_498 = tpu.memref_slice %arg1[%dma_wait3A_490, %dma_wait3A_496, %dma_wait3A_497] : memref<48x15x2048xf32, #tpu.memory_space<hbm>> -> memref<1x15x2048xf32, #tpu.memory_space<hbm>>
        %dma_wait3A_499 = tpu.memref_squeeze %dma_wait3A_498 : memref<1x15x2048xf32, #tpu.memory_space<hbm>> -> memref<15x2048xf32, #tpu.memory_space<hbm>>
        tpu.wait_dma2 semaphore(%arg7 : memref<!tpu.dma_semaphore, #tpu.memory_space<semaphore_mem>>) src(%dma_wait3A_499 : memref<15x2048xf32, #tpu.memory_space<hbm>>) dst(%dma_wait3A_495 : memref<15x2048xf32, #tpu.memory_space<hbm>>)
        %dma_wait3A_500 = arith.constant 0 : i32
        %dma_wait3A_501 = arith.constant 0 : i32
        %dma_wait3A_502 = arith.constant 0 : i32
        %dma_wait3A_503 = arith.constant 0 : i32
        %dma_wait3A_504 = tpu.memref_slice %arg3[%dma_wait3A_501, %dma_wait3A_502, %dma_wait3A_503] : memref<2048x15x2048xf32, #tpu.memory_space<hbm>> -> memref<1x15x2048xf32, #tpu.memory_space<hbm>>
        %dma_wait3A_505 = tpu.memref_squeeze %dma_wait3A_504 : memref<1x15x2048xf32, #tpu.memory_space<hbm>> -> memref<15x2048xf32, #tpu.memory_space<hbm>>
        %dma_wait3A_506 = arith.constant 0 : i32
        %dma_wait3A_507 = arith.constant 0 : i32
        %dma_wait3A_508 = tpu.memref_slice %arg1[%dma_wait3A_500, %dma_wait3A_506, %dma_wait3A_507] : memref<48x15x2048xf32, #tpu.memory_space<hbm>> -> memref<1x15x2048xf32, #tpu.memory_space<hbm>>
        %dma_wait3A_509 = tpu.memref_squeeze %dma_wait3A_508 : memref<1x15x2048xf32, #tpu.memory_space<hbm>> -> memref<15x2048xf32, #tpu.memory_space<hbm>>
        tpu.wait_dma2 semaphore(%arg7 : memref<!tpu.dma_semaphore, #tpu.memory_space<semaphore_mem>>) src(%dma_wait3A_509 : memref<15x2048xf32, #tpu.memory_space<hbm>>) dst(%dma_wait3A_505 : memref<15x2048xf32, #tpu.memory_space<hbm>>)
        %dma_wait3A_510 = arith.constant 0 : i32
        %dma_wait3A_511 = arith.constant 0 : i32
        %dma_wait3A_512 = arith.constant 0 : i32
        %dma_wait3A_513 = arith.constant 0 : i32
        %dma_wait3A_514 = tpu.memref_slice %arg3[%dma_wait3A_511, %dma_wait3A_512, %dma_wait3A_513] : memref<2048x15x2048xf32, #tpu.memory_space<hbm>> -> memref<1x15x2048xf32, #tpu.memory_space<hbm>>
        %dma_wait3A_515 = tpu.memref_squeeze %dma_wait3A_514 : memref<1x15x2048xf32, #tpu.memory_space<hbm>> -> memref<15x2048xf32, #tpu.memory_space<hbm>>
        %dma_wait3A_516 = arith.constant 0 : i32
        %dma_wait3A_517 = arith.constant 0 : i32
        %dma_wait3A_518 = tpu.memref_slice %arg1[%dma_wait3A_510, %dma_wait3A_516, %dma_wait3A_517] : memref<48x15x2048xf32, #tpu.memory_space<hbm>> -> memref<1x15x2048xf32, #tpu.memory_space<hbm>>
        %dma_wait3A_519 = tpu.memref_squeeze %dma_wait3A_518 : memref<1x15x2048xf32, #tpu.memory_space<hbm>> -> memref<15x2048xf32, #tpu.memory_space<hbm>>
        tpu.wait_dma2 semaphore(%arg7 : memref<!tpu.dma_semaphore, #tpu.memory_space<semaphore_mem>>) src(%dma_wait3A_519 : memref<15x2048xf32, #tpu.memory_space<hbm>>) dst(%dma_wait3A_515 : memref<15x2048xf32, #tpu.memory_space<hbm>>)
        %dma_wait3A_520 = arith.constant 0 : i32
        %dma_wait3A_521 = arith.constant 0 : i32
        %dma_wait3A_522 = arith.constant 0 : i32
        %dma_wait3A_523 = arith.constant 0 : i32
        %dma_wait3A_524 = tpu.memref_slice %arg3[%dma_wait3A_521, %dma_wait3A_522, %dma_wait3A_523] : memref<2048x15x2048xf32, #tpu.memory_space<hbm>> -> memref<1x15x2048xf32, #tpu.memory_space<hbm>>
        %dma_wait3A_525 = tpu.memref_squeeze %dma_wait3A_524 : memref<1x15x2048xf32, #tpu.memory_space<hbm>> -> memref<15x2048xf32, #tpu.memory_space<hbm>>
        %dma_wait3A_526 = arith.constant 0 : i32
        %dma_wait3A_527 = arith.constant 0 : i32
        %dma_wait3A_528 = tpu.memref_slice %arg1[%dma_wait3A_520, %dma_wait3A_526, %dma_wait3A_527] : memref<48x15x2048xf32, #tpu.memory_space<hbm>> -> memref<1x15x2048xf32, #tpu.memory_space<hbm>>
        %dma_wait3A_529 = tpu.memref_squeeze %dma_wait3A_528 : memref<1x15x2048xf32, #tpu.memory_space<hbm>> -> memref<15x2048xf32, #tpu.memory_space<hbm>>
        tpu.wait_dma2 semaphore(%arg7 : memref<!tpu.dma_semaphore, #tpu.memory_space<semaphore_mem>>) src(%dma_wait3A_529 : memref<15x2048xf32, #tpu.memory_space<hbm>>) dst(%dma_wait3A_525 : memref<15x2048xf32, #tpu.memory_space<hbm>>)
        %dma_wait3A_530 = arith.constant 0 : i32
        %dma_wait3A_531 = arith.constant 0 : i32
        %dma_wait3A_532 = arith.constant 0 : i32
        %dma_wait3A_533 = arith.constant 0 : i32
        %dma_wait3A_534 = tpu.memref_slice %arg3[%dma_wait3A_531, %dma_wait3A_532, %dma_wait3A_533] : memref<2048x15x2048xf32, #tpu.memory_space<hbm>> -> memref<1x15x2048xf32, #tpu.memory_space<hbm>>
        %dma_wait3A_535 = tpu.memref_squeeze %dma_wait3A_534 : memref<1x15x2048xf32, #tpu.memory_space<hbm>> -> memref<15x2048xf32, #tpu.memory_space<hbm>>
        %dma_wait3A_536 = arith.constant 0 : i32
        %dma_wait3A_537 = arith.constant 0 : i32
        %dma_wait3A_538 = tpu.memref_slice %arg1[%dma_wait3A_530, %dma_wait3A_536, %dma_wait3A_537] : memref<48x15x2048xf32, #tpu.memory_space<hbm>> -> memref<1x15x2048xf32, #tpu.memory_space<hbm>>
        %dma_wait3A_539 = tpu.memref_squeeze %dma_wait3A_538 : memref<1x15x2048xf32, #tpu.memory_space<hbm>> -> memref<15x2048xf32, #tpu.memory_space<hbm>>
        tpu.wait_dma2 semaphore(%arg7 : memref<!tpu.dma_semaphore, #tpu.memory_space<semaphore_mem>>) src(%dma_wait3A_539 : memref<15x2048xf32, #tpu.memory_space<hbm>>) dst(%dma_wait3A_535 : memref<15x2048xf32, #tpu.memory_space<hbm>>)
        %dma_wait3A_540 = arith.constant 0 : i32
        %dma_wait3A_541 = arith.constant 0 : i32
        %dma_wait3A_542 = arith.constant 0 : i32
        %dma_wait3A_543 = arith.constant 0 : i32
        %dma_wait3A_544 = tpu.memref_slice %arg3[%dma_wait3A_541, %dma_wait3A_542, %dma_wait3A_543] : memref<2048x15x2048xf32, #tpu.memory_space<hbm>> -> memref<1x15x2048xf32, #tpu.memory_space<hbm>>
        %dma_wait3A_545 = tpu.memref_squeeze %dma_wait3A_544 : memref<1x15x2048xf32, #tpu.memory_space<hbm>> -> memref<15x2048xf32, #tpu.memory_space<hbm>>
        %dma_wait3A_546 = arith.constant 0 : i32
        %dma_wait3A_547 = arith.constant 0 : i32
        %dma_wait3A_548 = tpu.memref_slice %arg1[%dma_wait3A_540, %dma_wait3A_546, %dma_wait3A_547] : memref<48x15x2048xf32, #tpu.memory_space<hbm>> -> memref<1x15x2048xf32, #tpu.memory_space<hbm>>
        %dma_wait3A_549 = tpu.memref_squeeze %dma_wait3A_548 : memref<1x15x2048xf32, #tpu.memory_space<hbm>> -> memref<15x2048xf32, #tpu.memory_space<hbm>>
        tpu.wait_dma2 semaphore(%arg7 : memref<!tpu.dma_semaphore, #tpu.memory_space<semaphore_mem>>) src(%dma_wait3A_549 : memref<15x2048xf32, #tpu.memory_space<hbm>>) dst(%dma_wait3A_545 : memref<15x2048xf32, #tpu.memory_space<hbm>>)
        %dma_wait3A_550 = arith.constant 0 : i32
        %dma_wait3A_551 = arith.constant 0 : i32
        %dma_wait3A_552 = arith.constant 0 : i32
        %dma_wait3A_553 = arith.constant 0 : i32
        %dma_wait3A_554 = tpu.memref_slice %arg3[%dma_wait3A_551, %dma_wait3A_552, %dma_wait3A_553] : memref<2048x15x2048xf32, #tpu.memory_space<hbm>> -> memref<1x15x2048xf32, #tpu.memory_space<hbm>>
        %dma_wait3A_555 = tpu.memref_squeeze %dma_wait3A_554 : memref<1x15x2048xf32, #tpu.memory_space<hbm>> -> memref<15x2048xf32, #tpu.memory_space<hbm>>
        %dma_wait3A_556 = arith.constant 0 : i32
        %dma_wait3A_557 = arith.constant 0 : i32
        %dma_wait3A_558 = tpu.memref_slice %arg1[%dma_wait3A_550, %dma_wait3A_556, %dma_wait3A_557] : memref<48x15x2048xf32, #tpu.memory_space<hbm>> -> memref<1x15x2048xf32, #tpu.memory_space<hbm>>
        %dma_wait3A_559 = tpu.memref_squeeze %dma_wait3A_558 : memref<1x15x2048xf32, #tpu.memory_space<hbm>> -> memref<15x2048xf32, #tpu.memory_space<hbm>>
        tpu.wait_dma2 semaphore(%arg7 : memref<!tpu.dma_semaphore, #tpu.memory_space<semaphore_mem>>) src(%dma_wait3A_559 : memref<15x2048xf32, #tpu.memory_space<hbm>>) dst(%dma_wait3A_555 : memref<15x2048xf32, #tpu.memory_space<hbm>>)
        %dma_wait3A_560 = arith.constant 0 : i32
        %dma_wait3A_561 = arith.constant 0 : i32
        %dma_wait3A_562 = arith.constant 0 : i32
        %dma_wait3A_563 = arith.constant 0 : i32
        %dma_wait3A_564 = tpu.memref_slice %arg3[%dma_wait3A_561, %dma_wait3A_562, %dma_wait3A_563] : memref<2048x15x2048xf32, #tpu.memory_space<hbm>> -> memref<1x15x2048xf32, #tpu.memory_space<hbm>>
        %dma_wait3A_565 = tpu.memref_squeeze %dma_wait3A_564 : memref<1x15x2048xf32, #tpu.memory_space<hbm>> -> memref<15x2048xf32, #tpu.memory_space<hbm>>
        %dma_wait3A_566 = arith.constant 0 : i32
        %dma_wait3A_567 = arith.constant 0 : i32
        %dma_wait3A_568 = tpu.memref_slice %arg1[%dma_wait3A_560, %dma_wait3A_566, %dma_wait3A_567] : memref<48x15x2048xf32, #tpu.memory_space<hbm>> -> memref<1x15x2048xf32, #tpu.memory_space<hbm>>
        %dma_wait3A_569 = tpu.memref_squeeze %dma_wait3A_568 : memref<1x15x2048xf32, #tpu.memory_space<hbm>> -> memref<15x2048xf32, #tpu.memory_space<hbm>>
        tpu.wait_dma2 semaphore(%arg7 : memref<!tpu.dma_semaphore, #tpu.memory_space<semaphore_mem>>) src(%dma_wait3A_569 : memref<15x2048xf32, #tpu.memory_space<hbm>>) dst(%dma_wait3A_565 : memref<15x2048xf32, #tpu.memory_space<hbm>>)
      } else {
      }
    }
    %scan3A_4 = arith.constant 64 : i32
    %dma_wait3A_5 = arith.constant 0 : i32
    %dma_wait3A_6 = arith.constant 0 : i32
    %dma_wait3A_7 = arith.constant 0 : i32
    %dma_wait3A_8 = arith.constant 0 : i32
    %dma_wait3A_9 = tpu.memref_slice %arg3[%dma_wait3A_6, %dma_wait3A_7, %dma_wait3A_8] : memref<2048x15x2048xf32, #tpu.memory_space<hbm>> -> memref<1x15x2048xf32, #tpu.memory_space<hbm>>
    %dma_wait3A_10 = tpu.memref_squeeze %dma_wait3A_9 : memref<1x15x2048xf32, #tpu.memory_space<hbm>> -> memref<15x2048xf32, #tpu.memory_space<hbm>>
    %dma_wait3A_11 = arith.constant 0 : i32
    %dma_wait3A_12 = arith.constant 0 : i32
    %dma_wait3A_13 = tpu.memref_slice %arg1[%dma_wait3A_5, %dma_wait3A_11, %dma_wait3A_12] : memref<48x15x2048xf32, #tpu.memory_space<hbm>> -> memref<1x15x2048xf32, #tpu.memory_space<hbm>>
    %dma_wait3A_14 = tpu.memref_squeeze %dma_wait3A_13 : memref<1x15x2048xf32, #tpu.memory_space<hbm>> -> memref<15x2048xf32, #tpu.memory_space<hbm>>
    tpu.wait_dma2 semaphore(%arg7 : memref<!tpu.dma_semaphore, #tpu.memory_space<semaphore_mem>>) src(%dma_wait3A_14 : memref<15x2048xf32, #tpu.memory_space<hbm>>) dst(%dma_wait3A_10 : memref<15x2048xf32, #tpu.memory_space<hbm>>)
    %dma_wait3A_15 = arith.constant 0 : i32
    %dma_wait3A_16 = arith.constant 0 : i32
    %dma_wait3A_17 = arith.constant 0 : i32
    %dma_wait3A_18 = arith.constant 0 : i32
    %dma_wait3A_19 = tpu.memref_slice %arg3[%dma_wait3A_16, %dma_wait3A_17, %dma_wait3A_18] : memref<2048x15x2048xf32, #tpu.memory_space<hbm>> -> memref<1x15x2048xf32, #tpu.memory_space<hbm>>
    %dma_wait3A_20 = tpu.memref_squeeze %dma_wait3A_19 : memref<1x15x2048xf32, #tpu.memory_space<hbm>> -> memref<15x2048xf32, #tpu.memory_space<hbm>>
    %dma_wait3A_21 = arith.constant 0 : i32
    %dma_wait3A_22 = arith.constant 0 : i32
    %dma_wait3A_23 = tpu.memref_slice %arg1[%dma_wait3A_15, %dma_wait3A_21, %dma_wait3A_22] : memref<48x15x2048xf32, #tpu.memory_space<hbm>> -> memref<1x15x2048xf32, #tpu.memory_space<hbm>>
    %dma_wait3A_24 = tpu.memref_squeeze %dma_wait3A_23 : memref<1x15x2048xf32, #tpu.memory_space<hbm>> -> memref<15x2048xf32, #tpu.memory_space<hbm>>
    tpu.wait_dma2 semaphore(%arg7 : memref<!tpu.dma_semaphore, #tpu.memory_space<semaphore_mem>>) src(%dma_wait3A_24 : memref<15x2048xf32, #tpu.memory_space<hbm>>) dst(%dma_wait3A_20 : memref<15x2048xf32, #tpu.memory_space<hbm>>)
    %dma_wait3A_25 = arith.constant 0 : i32
    %dma_wait3A_26 = arith.constant 0 : i32
    %dma_wait3A_27 = arith.constant 0 : i32
    %dma_wait3A_28 = arith.constant 0 : i32
    %dma_wait3A_29 = tpu.memref_slice %arg3[%dma_wait3A_26, %dma_wait3A_27, %dma_wait3A_28] : memref<2048x15x2048xf32, #tpu.memory_space<hbm>> -> memref<1x15x2048xf32, #tpu.memory_space<hbm>>
    %dma_wait3A_30 = tpu.memref_squeeze %dma_wait3A_29 : memref<1x15x2048xf32, #tpu.memory_space<hbm>> -> memref<15x2048xf32, #tpu.memory_space<hbm>>
    %dma_wait3A_31 = arith.constant 0 : i32
    %dma_wait3A_32 = arith.constant 0 : i32
    %dma_wait3A_33 = tpu.memref_slice %arg1[%dma_wait3A_25, %dma_wait3A_31, %dma_wait3A_32] : memref<48x15x2048xf32, #tpu.memory_space<hbm>> -> memref<1x15x2048xf32, #tpu.memory_space<hbm>>
    %dma_wait3A_34 = tpu.memref_squeeze %dma_wait3A_33 : memref<1x15x2048xf32, #tpu.memory_space<hbm>> -> memref<15x2048xf32, #tpu.memory_space<hbm>>
    tpu.wait_dma2 semaphore(%arg7 : memref<!tpu.dma_semaphore, #tpu.memory_space<semaphore_mem>>) src(%dma_wait3A_34 : memref<15x2048xf32, #tpu.memory_space<hbm>>) dst(%dma_wait3A_30 : memref<15x2048xf32, #tpu.memory_space<hbm>>)
    %dma_wait3A_35 = arith.constant 0 : i32
    %dma_wait3A_36 = arith.constant 0 : i32
    %dma_wait3A_37 = arith.constant 0 : i32
    %dma_wait3A_38 = arith.constant 0 : i32
    %dma_wait3A_39 = tpu.memref_slice %arg3[%dma_wait3A_36, %dma_wait3A_37, %dma_wait3A_38] : memref<2048x15x2048xf32, #tpu.memory_space<hbm>> -> memref<1x15x2048xf32, #tpu.memory_space<hbm>>
    %dma_wait3A_40 = tpu.memref_squeeze %dma_wait3A_39 : memref<1x15x2048xf32, #tpu.memory_space<hbm>> -> memref<15x2048xf32, #tpu.memory_space<hbm>>
    %dma_wait3A_41 = arith.constant 0 : i32
    %dma_wait3A_42 = arith.constant 0 : i32
    %dma_wait3A_43 = tpu.memref_slice %arg1[%dma_wait3A_35, %dma_wait3A_41, %dma_wait3A_42] : memref<48x15x2048xf32, #tpu.memory_space<hbm>> -> memref<1x15x2048xf32, #tpu.memory_space<hbm>>
    %dma_wait3A_44 = tpu.memref_squeeze %dma_wait3A_43 : memref<1x15x2048xf32, #tpu.memory_space<hbm>> -> memref<15x2048xf32, #tpu.memory_space<hbm>>
    tpu.wait_dma2 semaphore(%arg7 : memref<!tpu.dma_semaphore, #tpu.memory_space<semaphore_mem>>) src(%dma_wait3A_44 : memref<15x2048xf32, #tpu.memory_space<hbm>>) dst(%dma_wait3A_40 : memref<15x2048xf32, #tpu.memory_space<hbm>>)
    %dma_wait3A_45 = arith.constant 0 : i32
    %dma_wait3A_46 = arith.constant 0 : i32
    %dma_wait3A_47 = arith.constant 0 : i32
    %dma_wait3A_48 = arith.constant 0 : i32
    %dma_wait3A_49 = tpu.memref_slice %arg3[%dma_wait3A_46, %dma_wait3A_47, %dma_wait3A_48] : memref<2048x15x2048xf32, #tpu.memory_space<hbm>> -> memref<1x15x2048xf32, #tpu.memory_space<hbm>>
    %dma_wait3A_50 = tpu.memref_squeeze %dma_wait3A_49 : memref<1x15x2048xf32, #tpu.memory_space<hbm>> -> memref<15x2048xf32, #tpu.memory_space<hbm>>
    %dma_wait3A_51 = arith.constant 0 : i32
    %dma_wait3A_52 = arith.constant 0 : i32
    %dma_wait3A_53 = tpu.memref_slice %arg1[%dma_wait3A_45, %dma_wait3A_51, %dma_wait3A_52] : memref<48x15x2048xf32, #tpu.memory_space<hbm>> -> memref<1x15x2048xf32, #tpu.memory_space<hbm>>
    %dma_wait3A_54 = tpu.memref_squeeze %dma_wait3A_53 : memref<1x15x2048xf32, #tpu.memory_space<hbm>> -> memref<15x2048xf32, #tpu.memory_space<hbm>>
    tpu.wait_dma2 semaphore(%arg7 : memref<!tpu.dma_semaphore, #tpu.memory_space<semaphore_mem>>) src(%dma_wait3A_54 : memref<15x2048xf32, #tpu.memory_space<hbm>>) dst(%dma_wait3A_50 : memref<15x2048xf32, #tpu.memory_space<hbm>>)
    %dma_wait3A_55 = arith.constant 0 : i32
    %dma_wait3A_56 = arith.constant 0 : i32
    %dma_wait3A_57 = arith.constant 0 : i32
    %dma_wait3A_58 = arith.constant 0 : i32
    %dma_wait3A_59 = tpu.memref_slice %arg3[%dma_wait3A_56, %dma_wait3A_57, %dma_wait3A_58] : memref<2048x15x2048xf32, #tpu.memory_space<hbm>> -> memref<1x15x2048xf32, #tpu.memory_space<hbm>>
    %dma_wait3A_60 = tpu.memref_squeeze %dma_wait3A_59 : memref<1x15x2048xf32, #tpu.memory_space<hbm>> -> memref<15x2048xf32, #tpu.memory_space<hbm>>
    %dma_wait3A_61 = arith.constant 0 : i32
    %dma_wait3A_62 = arith.constant 0 : i32
    %dma_wait3A_63 = tpu.memref_slice %arg1[%dma_wait3A_55, %dma_wait3A_61, %dma_wait3A_62] : memref<48x15x2048xf32, #tpu.memory_space<hbm>> -> memref<1x15x2048xf32, #tpu.memory_space<hbm>>
    %dma_wait3A_64 = tpu.memref_squeeze %dma_wait3A_63 : memref<1x15x2048xf32, #tpu.memory_space<hbm>> -> memref<15x2048xf32, #tpu.memory_space<hbm>>
    tpu.wait_dma2 semaphore(%arg7 : memref<!tpu.dma_semaphore, #tpu.memory_space<semaphore_mem>>) src(%dma_wait3A_64 : memref<15x2048xf32, #tpu.memory_space<hbm>>) dst(%dma_wait3A_60 : memref<15x2048xf32, #tpu.memory_space<hbm>>)
    %dma_wait3A_65 = arith.constant 0 : i32
    %dma_wait3A_66 = arith.constant 0 : i32
    %dma_wait3A_67 = arith.constant 0 : i32
    %dma_wait3A_68 = arith.constant 0 : i32
    %dma_wait3A_69 = tpu.memref_slice %arg3[%dma_wait3A_66, %dma_wait3A_67, %dma_wait3A_68] : memref<2048x15x2048xf32, #tpu.memory_space<hbm>> -> memref<1x15x2048xf32, #tpu.memory_space<hbm>>
    %dma_wait3A_70 = tpu.memref_squeeze %dma_wait3A_69 : memref<1x15x2048xf32, #tpu.memory_space<hbm>> -> memref<15x2048xf32, #tpu.memory_space<hbm>>
    %dma_wait3A_71 = arith.constant 0 : i32
    %dma_wait3A_72 = arith.constant 0 : i32
    %dma_wait3A_73 = tpu.memref_slice %arg1[%dma_wait3A_65, %dma_wait3A_71, %dma_wait3A_72] : memref<48x15x2048xf32, #tpu.memory_space<hbm>> -> memref<1x15x2048xf32, #tpu.memory_space<hbm>>
    %dma_wait3A_74 = tpu.memref_squeeze %dma_wait3A_73 : memref<1x15x2048xf32, #tpu.memory_space<hbm>> -> memref<15x2048xf32, #tpu.memory_space<hbm>>
    tpu.wait_dma2 semaphore(%arg7 : memref<!tpu.dma_semaphore, #tpu.memory_space<semaphore_mem>>) src(%dma_wait3A_74 : memref<15x2048xf32, #tpu.memory_space<hbm>>) dst(%dma_wait3A_70 : memref<15x2048xf32, #tpu.memory_space<hbm>>)
    %dma_wait3A_75 = arith.constant 0 : i32
    %dma_wait3A_76 = arith.constant 0 : i32
    %dma_wait3A_77 = arith.constant 0 : i32
    %dma_wait3A_78 = arith.constant 0 : i32
    %dma_wait3A_79 = tpu.memref_slice %arg3[%dma_wait3A_76, %dma_wait3A_77, %dma_wait3A_78] : memref<2048x15x2048xf32, #tpu.memory_space<hbm>> -> memref<1x15x2048xf32, #tpu.memory_space<hbm>>
    %dma_wait3A_80 = tpu.memref_squeeze %dma_wait3A_79 : memref<1x15x2048xf32, #tpu.memory_space<hbm>> -> memref<15x2048xf32, #tpu.memory_space<hbm>>
    %dma_wait3A_81 = arith.constant 0 : i32
    %dma_wait3A_82 = arith.constant 0 : i32
    %dma_wait3A_83 = tpu.memref_slice %arg1[%dma_wait3A_75, %dma_wait3A_81, %dma_wait3A_82] : memref<48x15x2048xf32, #tpu.memory_space<hbm>> -> memref<1x15x2048xf32, #tpu.memory_space<hbm>>
    %dma_wait3A_84 = tpu.memref_squeeze %dma_wait3A_83 : memref<1x15x2048xf32, #tpu.memory_space<hbm>> -> memref<15x2048xf32, #tpu.memory_space<hbm>>
    tpu.wait_dma2 semaphore(%arg7 : memref<!tpu.dma_semaphore, #tpu.memory_space<semaphore_mem>>) src(%dma_wait3A_84 : memref<15x2048xf32, #tpu.memory_space<hbm>>) dst(%dma_wait3A_80 : memref<15x2048xf32, #tpu.memory_space<hbm>>)
    %dma_wait3A_85 = arith.constant 0 : i32
    %dma_wait3A_86 = arith.constant 0 : i32
    %dma_wait3A_87 = arith.constant 0 : i32
    %dma_wait3A_88 = arith.constant 0 : i32
    %dma_wait3A_89 = tpu.memref_slice %arg3[%dma_wait3A_86, %dma_wait3A_87, %dma_wait3A_88] : memref<2048x15x2048xf32, #tpu.memory_space<hbm>> -> memref<1x15x2048xf32, #tpu.memory_space<hbm>>
    %dma_wait3A_90 = tpu.memref_squeeze %dma_wait3A_89 : memref<1x15x2048xf32, #tpu.memory_space<hbm>> -> memref<15x2048xf32, #tpu.memory_space<hbm>>
    %dma_wait3A_91 = arith.constant 0 : i32
    %dma_wait3A_92 = arith.constant 0 : i32
    %dma_wait3A_93 = tpu.memref_slice %arg1[%dma_wait3A_85, %dma_wait3A_91, %dma_wait3A_92] : memref<48x15x2048xf32, #tpu.memory_space<hbm>> -> memref<1x15x2048xf32, #tpu.memory_space<hbm>>
    %dma_wait3A_94 = tpu.memref_squeeze %dma_wait3A_93 : memref<1x15x2048xf32, #tpu.memory_space<hbm>> -> memref<15x2048xf32, #tpu.memory_space<hbm>>
    tpu.wait_dma2 semaphore(%arg7 : memref<!tpu.dma_semaphore, #tpu.memory_space<semaphore_mem>>) src(%dma_wait3A_94 : memref<15x2048xf32, #tpu.memory_space<hbm>>) dst(%dma_wait3A_90 : memref<15x2048xf32, #tpu.memory_space<hbm>>)
    %dma_wait3A_95 = arith.constant 0 : i32
    %dma_wait3A_96 = arith.constant 0 : i32
    %dma_wait3A_97 = arith.constant 0 : i32
    %dma_wait3A_98 = arith.constant 0 : i32
    %dma_wait3A_99 = tpu.memref_slice %arg3[%dma_wait3A_96, %dma_wait3A_97, %dma_wait3A_98] : memref<2048x15x2048xf32, #tpu.memory_space<hbm>> -> memref<1x15x2048xf32, #tpu.memory_space<hbm>>
    %dma_wait3A_100 = tpu.memref_squeeze %dma_wait3A_99 : memref<1x15x2048xf32, #tpu.memory_space<hbm>> -> memref<15x2048xf32, #tpu.memory_space<hbm>>
    %dma_wait3A_101 = arith.constant 0 : i32
    %dma_wait3A_102 = arith.constant 0 : i32
    %dma_wait3A_103 = tpu.memref_slice %arg1[%dma_wait3A_95, %dma_wait3A_101, %dma_wait3A_102] : memref<48x15x2048xf32, #tpu.memory_space<hbm>> -> memref<1x15x2048xf32, #tpu.memory_space<hbm>>
    %dma_wait3A_104 = tpu.memref_squeeze %dma_wait3A_103 : memref<1x15x2048xf32, #tpu.memory_space<hbm>> -> memref<15x2048xf32, #tpu.memory_space<hbm>>
    tpu.wait_dma2 semaphore(%arg7 : memref<!tpu.dma_semaphore, #tpu.memory_space<semaphore_mem>>) src(%dma_wait3A_104 : memref<15x2048xf32, #tpu.memory_space<hbm>>) dst(%dma_wait3A_100 : memref<15x2048xf32, #tpu.memory_space<hbm>>)
    %dma_wait3A_105 = arith.constant 0 : i32
    %dma_wait3A_106 = arith.constant 0 : i32
    %dma_wait3A_107 = arith.constant 0 : i32
    %dma_wait3A_108 = arith.constant 0 : i32
    %dma_wait3A_109 = tpu.memref_slice %arg3[%dma_wait3A_106, %dma_wait3A_107, %dma_wait3A_108] : memref<2048x15x2048xf32, #tpu.memory_space<hbm>> -> memref<1x15x2048xf32, #tpu.memory_space<hbm>>
    %dma_wait3A_110 = tpu.memref_squeeze %dma_wait3A_109 : memref<1x15x2048xf32, #tpu.memory_space<hbm>> -> memref<15x2048xf32, #tpu.memory_space<hbm>>
    %dma_wait3A_111 = arith.constant 0 : i32
    %dma_wait3A_112 = arith.constant 0 : i32
    %dma_wait3A_113 = tpu.memref_slice %arg1[%dma_wait3A_105, %dma_wait3A_111, %dma_wait3A_112] : memref<48x15x2048xf32, #tpu.memory_space<hbm>> -> memref<1x15x2048xf32, #tpu.memory_space<hbm>>
    %dma_wait3A_114 = tpu.memref_squeeze %dma_wait3A_113 : memref<1x15x2048xf32, #tpu.memory_space<hbm>> -> memref<15x2048xf32, #tpu.memory_space<hbm>>
    tpu.wait_dma2 semaphore(%arg7 : memref<!tpu.dma_semaphore, #tpu.memory_space<semaphore_mem>>) src(%dma_wait3A_114 : memref<15x2048xf32, #tpu.memory_space<hbm>>) dst(%dma_wait3A_110 : memref<15x2048xf32, #tpu.memory_space<hbm>>)
    %dma_wait3A_115 = arith.constant 0 : i32
    %dma_wait3A_116 = arith.constant 0 : i32
    %dma_wait3A_117 = arith.constant 0 : i32
    %dma_wait3A_118 = arith.constant 0 : i32
    %dma_wait3A_119 = tpu.memref_slice %arg3[%dma_wait3A_116, %dma_wait3A_117, %dma_wait3A_118] : memref<2048x15x2048xf32, #tpu.memory_space<hbm>> -> memref<1x15x2048xf32, #tpu.memory_space<hbm>>
    %dma_wait3A_120 = tpu.memref_squeeze %dma_wait3A_119 : memref<1x15x2048xf32, #tpu.memory_space<hbm>> -> memref<15x2048xf32, #tpu.memory_space<hbm>>
    %dma_wait3A_121 = arith.constant 0 : i32
    %dma_wait3A_122 = arith.constant 0 : i32
    %dma_wait3A_123 = tpu.memref_slice %arg1[%dma_wait3A_115, %dma_wait3A_121, %dma_wait3A_122] : memref<48x15x2048xf32, #tpu.memory_space<hbm>> -> memref<1x15x2048xf32, #tpu.memory_space<hbm>>
    %dma_wait3A_124 = tpu.memref_squeeze %dma_wait3A_123 : memref<1x15x2048xf32, #tpu.memory_space<hbm>> -> memref<15x2048xf32, #tpu.memory_space<hbm>>
    tpu.wait_dma2 semaphore(%arg7 : memref<!tpu.dma_semaphore, #tpu.memory_space<semaphore_mem>>) src(%dma_wait3A_124 : memref<15x2048xf32, #tpu.memory_space<hbm>>) dst(%dma_wait3A_120 : memref<15x2048xf32, #tpu.memory_space<hbm>>)
    %dma_wait3A_125 = arith.constant 0 : i32
    %dma_wait3A_126 = arith.constant 0 : i32
    %dma_wait3A_127 = arith.constant 0 : i32
    %dma_wait3A_128 = arith.constant 0 : i32
    %dma_wait3A_129 = tpu.memref_slice %arg3[%dma_wait3A_126, %dma_wait3A_127, %dma_wait3A_128] : memref<2048x15x2048xf32, #tpu.memory_space<hbm>> -> memref<1x15x2048xf32, #tpu.memory_space<hbm>>
    %dma_wait3A_130 = tpu.memref_squeeze %dma_wait3A_129 : memref<1x15x2048xf32, #tpu.memory_space<hbm>> -> memref<15x2048xf32, #tpu.memory_space<hbm>>
    %dma_wait3A_131 = arith.constant 0 : i32
    %dma_wait3A_132 = arith.constant 0 : i32
    %dma_wait3A_133 = tpu.memref_slice %arg1[%dma_wait3A_125, %dma_wait3A_131, %dma_wait3A_132] : memref<48x15x2048xf32, #tpu.memory_space<hbm>> -> memref<1x15x2048xf32, #tpu.memory_space<hbm>>
    %dma_wait3A_134 = tpu.memref_squeeze %dma_wait3A_133 : memref<1x15x2048xf32, #tpu.memory_space<hbm>> -> memref<15x2048xf32, #tpu.memory_space<hbm>>
    tpu.wait_dma2 semaphore(%arg7 : memref<!tpu.dma_semaphore, #tpu.memory_space<semaphore_mem>>) src(%dma_wait3A_134 : memref<15x2048xf32, #tpu.memory_space<hbm>>) dst(%dma_wait3A_130 : memref<15x2048xf32, #tpu.memory_space<hbm>>)
    %dma_wait3A_135 = arith.constant 0 : i32
    %dma_wait3A_136 = arith.constant 0 : i32
    %dma_wait3A_137 = arith.constant 0 : i32
    %dma_wait3A_138 = arith.constant 0 : i32
    %dma_wait3A_139 = tpu.memref_slice %arg3[%dma_wait3A_136, %dma_wait3A_137, %dma_wait3A_138] : memref<2048x15x2048xf32, #tpu.memory_space<hbm>> -> memref<1x15x2048xf32, #tpu.memory_space<hbm>>
    %dma_wait3A_140 = tpu.memref_squeeze %dma_wait3A_139 : memref<1x15x2048xf32, #tpu.memory_space<hbm>> -> memref<15x2048xf32, #tpu.memory_space<hbm>>
    %dma_wait3A_141 = arith.constant 0 : i32
    %dma_wait3A_142 = arith.constant 0 : i32
    %dma_wait3A_143 = tpu.memref_slice %arg1[%dma_wait3A_135, %dma_wait3A_141, %dma_wait3A_142] : memref<48x15x2048xf32, #tpu.memory_space<hbm>> -> memref<1x15x2048xf32, #tpu.memory_space<hbm>>
    %dma_wait3A_144 = tpu.memref_squeeze %dma_wait3A_143 : memref<1x15x2048xf32, #tpu.memory_space<hbm>> -> memref<15x2048xf32, #tpu.memory_space<hbm>>
    tpu.wait_dma2 semaphore(%arg7 : memref<!tpu.dma_semaphore, #tpu.memory_space<semaphore_mem>>) src(%dma_wait3A_144 : memref<15x2048xf32, #tpu.memory_space<hbm>>) dst(%dma_wait3A_140 : memref<15x2048xf32, #tpu.memory_space<hbm>>)
    %dma_wait3A_145 = arith.constant 0 : i32
    %dma_wait3A_146 = arith.constant 0 : i32
    %dma_wait3A_147 = arith.constant 0 : i32
    %dma_wait3A_148 = arith.constant 0 : i32
    %dma_wait3A_149 = tpu.memref_slice %arg3[%dma_wait3A_146, %dma_wait3A_147, %dma_wait3A_148] : memref<2048x15x2048xf32, #tpu.memory_space<hbm>> -> memref<1x15x2048xf32, #tpu.memory_space<hbm>>
    %dma_wait3A_150 = tpu.memref_squeeze %dma_wait3A_149 : memref<1x15x2048xf32, #tpu.memory_space<hbm>> -> memref<15x2048xf32, #tpu.memory_space<hbm>>
    %dma_wait3A_151 = arith.constant 0 : i32
    %dma_wait3A_152 = arith.constant 0 : i32
    %dma_wait3A_153 = tpu.memref_slice %arg1[%dma_wait3A_145, %dma_wait3A_151, %dma_wait3A_152] : memref<48x15x2048xf32, #tpu.memory_space<hbm>> -> memref<1x15x2048xf32, #tpu.memory_space<hbm>>
    %dma_wait3A_154 = tpu.memref_squeeze %dma_wait3A_153 : memref<1x15x2048xf32, #tpu.memory_space<hbm>> -> memref<15x2048xf32, #tpu.memory_space<hbm>>
    tpu.wait_dma2 semaphore(%arg7 : memref<!tpu.dma_semaphore, #tpu.memory_space<semaphore_mem>>) src(%dma_wait3A_154 : memref<15x2048xf32, #tpu.memory_space<hbm>>) dst(%dma_wait3A_150 : memref<15x2048xf32, #tpu.memory_space<hbm>>)
    %dma_wait3A_155 = arith.constant 0 : i32
    %dma_wait3A_156 = arith.constant 0 : i32
    %dma_wait3A_157 = arith.constant 0 : i32
    %dma_wait3A_158 = arith.constant 0 : i32
    %dma_wait3A_159 = tpu.memref_slice %arg3[%dma_wait3A_156, %dma_wait3A_157, %dma_wait3A_158] : memref<2048x15x2048xf32, #tpu.memory_space<hbm>> -> memref<1x15x2048xf32, #tpu.memory_space<hbm>>
    %dma_wait3A_160 = tpu.memref_squeeze %dma_wait3A_159 : memref<1x15x2048xf32, #tpu.memory_space<hbm>> -> memref<15x2048xf32, #tpu.memory_space<hbm>>
    %dma_wait3A_161 = arith.constant 0 : i32
    %dma_wait3A_162 = arith.constant 0 : i32
    %dma_wait3A_163 = tpu.memref_slice %arg1[%dma_wait3A_155, %dma_wait3A_161, %dma_wait3A_162] : memref<48x15x2048xf32, #tpu.memory_space<hbm>> -> memref<1x15x2048xf32, #tpu.memory_space<hbm>>
    %dma_wait3A_164 = tpu.memref_squeeze %dma_wait3A_163 : memref<1x15x2048xf32, #tpu.memory_space<hbm>> -> memref<15x2048xf32, #tpu.memory_space<hbm>>
    tpu.wait_dma2 semaphore(%arg7 : memref<!tpu.dma_semaphore, #tpu.memory_space<semaphore_mem>>) src(%dma_wait3A_164 : memref<15x2048xf32, #tpu.memory_space<hbm>>) dst(%dma_wait3A_160 : memref<15x2048xf32, #tpu.memory_space<hbm>>)
    return
  }
}

module attributes {stable_mosaic.version = 14 : i64} {
  func.func @_precomp_body(%arg0: i32, %arg1: memref<48x2048xf32, #tpu.memory_space<vmem>>, %arg2: memref<1x15x2048xf32, #tpu.memory_space<vmem>>) attributes {dimension_semantics = [#tpu.dimension_semantics<arbitrary>], iteration_bounds = array<i64: 48>, scalar_prefetch = 0 : i64, scratch_operands = 0 : i64, tpu.core_type = #tpu.core_type<tc>, window_params = [{pipeline_mode = #tpu.pipeline_mode<synchronous>, transform_indices = @transform_0, window_bounds = array<i64: 48, 2048>}, {transform_indices = @transform_1, window_bounds = array<i64: 1, 15, 2048>}]} {
    %jit3A = arith.constant 16 : i32
    %div3A = arith.divsi %arg0, %jit3A : i32
    %sign3A = arith.constant 0 : i32
    %sign3A_0 = arith.cmpi sgt, %arg0, %sign3A : i32
    %sign3A_1 = arith.extui %sign3A_0 : i1 to i32
    %sign3A_2 = arith.constant 0 : i32
    %sign3A_3 = arith.cmpi slt, %arg0, %sign3A_2 : i32
    %sign3A_4 = arith.extui %sign3A_3 : i1 to i32
    %sign3A_5 = arith.subi %sign3A_1, %sign3A_4 : i32
    %sign3A_6 = arith.constant 0 : i32
    %sign3A_7 = arith.cmpi sgt, %jit3A, %sign3A_6 : i32
    %sign3A_8 = arith.extui %sign3A_7 : i1 to i32
    %sign3A_9 = arith.constant 0 : i32
    %sign3A_10 = arith.cmpi slt, %jit3A, %sign3A_9 : i32
    %sign3A_11 = arith.extui %sign3A_10 : i1 to i32
    %sign3A_12 = arith.subi %sign3A_8, %sign3A_11 : i32
    %ne3A = arith.cmpi ne, %sign3A_5, %sign3A_12 : i32
    %rem3A = arith.remsi %arg0, %jit3A : i32
    %ne3A_13 = arith.constant 0 : i32
    %ne3A_14 = arith.cmpi ne, %rem3A, %ne3A_13 : i32
    %and3A = arith.andi %ne3A, %ne3A_14 : i1
    %sub3A = arith.constant 1 : i32
    %sub3A_15 = arith.subi %div3A, %sub3A : i32
    %select_n3A = arith.select %and3A, %sub3A_15, %div3A : i32
    %mul3A = arith.constant 16 : i32
    %mul3A_16 = arith.muli %select_n3A, %mul3A : i32
    %sub3A_17 = arith.subi %arg0, %mul3A_16 : i32
    %mul3A_18 = arith.constant 16 : i32
    %mul3A_19 = arith.muli %select_n3A, %mul3A_18 : i32
    %add3A = arith.constant 0 : i32
    %add3A_20 = arith.addi %mul3A_19, %add3A : i32
    %le3A = arith.constant 0 : i32
    %le3A_21 = arith.cmpi sle, %sub3A_17, %le3A : i32
    %jit3A_22 = arith.constant 1 : i32
    %jit3A_23 = arith.constant 0 : i32
    %select_n3A_24 = arith.select %le3A_21, %jit3A_22, %jit3A_23 : i32
    %add3A_25 = arith.addi %add3A_20, %select_n3A_24 : i32
    %get3A = arith.index_cast %add3A_25 : i32 to index
    %get3A_26 = arith.constant 0 : index
    %get3A_27 = vector.load %arg1[%get3A, %get3A_26] : memref<48x2048xf32, #tpu.memory_space<vmem>>, vector<1x2048xf32>
    %reshape3A = vector.shape_cast %get3A_27 : vector<1x2048xf32> to vector<1x1x2048xf32>
    %swap3A = arith.constant 0 : index
    %swap3A_28 = arith.constant 0 : index
    %swap3A_29 = arith.constant 0 : index
    %swap3A_30 = vector.load %arg2[%swap3A, %swap3A_28, %swap3A_29] : memref<1x15x2048xf32, #tpu.memory_space<vmem>>, vector<1x1x2048xf32>
    tpu.vector_store %arg2[%swap3A, %swap3A_28, %swap3A_29], %reshape3A {strides = array<i32>} : memref<1x15x2048xf32, #tpu.memory_space<vmem>>, vector<1x1x2048xf32>,
    %mul3A_31 = arith.constant 16 : i32
    %mul3A_32 = arith.muli %select_n3A, %mul3A_31 : i32
    %add3A_33 = arith.constant 1 : i32
    %add3A_34 = arith.addi %mul3A_32, %add3A_33 : i32
    %le3A_35 = arith.constant 1 : i32
    %le3A_36 = arith.cmpi sle, %sub3A_17, %le3A_35 : i32
    %jit3A_37 = arith.constant 1 : i32
    %jit3A_38 = arith.constant 0 : i32
    %select_n3A_39 = arith.select %le3A_36, %jit3A_37, %jit3A_38 : i32
    %add3A_40 = arith.addi %add3A_34, %select_n3A_39 : i32
    %get3A_41 = arith.index_cast %add3A_40 : i32 to index
    %get3A_42 = arith.constant 0 : index
    %get3A_43 = vector.load %arg1[%get3A_41, %get3A_42] : memref<48x2048xf32, #tpu.memory_space<vmem>>, vector<1x2048xf32>
    %reshape3A_44 = vector.shape_cast %get3A_43 : vector<1x2048xf32> to vector<1x1x2048xf32>
    %swap3A_45 = arith.constant 0 : index
    %swap3A_46 = arith.constant 1 : index
    %swap3A_47 = arith.constant 0 : index
    %swap3A_48 = vector.load %arg2[%swap3A_45, %swap3A_46, %swap3A_47] : memref<1x15x2048xf32, #tpu.memory_space<vmem>>, vector<1x1x2048xf32>
    tpu.vector_store %arg2[%swap3A_45, %swap3A_46, %swap3A_47], %reshape3A_44 {strides = array<i32>} : memref<1x15x2048xf32, #tpu.memory_space<vmem>>, vector<1x1x2048xf32>,
    %mul3A_49 = arith.constant 16 : i32
    %mul3A_50 = arith.muli %select_n3A, %mul3A_49 : i32
    %add3A_51 = arith.constant 2 : i32
    %add3A_52 = arith.addi %mul3A_50, %add3A_51 : i32
    %le3A_53 = arith.constant 2 : i32
    %le3A_54 = arith.cmpi sle, %sub3A_17, %le3A_53 : i32
    %jit3A_55 = arith.constant 1 : i32
    %jit3A_56 = arith.constant 0 : i32
    %select_n3A_57 = arith.select %le3A_54, %jit3A_55, %jit3A_56 : i32
    %add3A_58 = arith.addi %add3A_52, %select_n3A_57 : i32
    %get3A_59 = arith.index_cast %add3A_58 : i32 to index
    %get3A_60 = arith.constant 0 : index
    %get3A_61 = vector.load %arg1[%get3A_59, %get3A_60] : memref<48x2048xf32, #tpu.memory_space<vmem>>, vector<1x2048xf32>
    %reshape3A_62 = vector.shape_cast %get3A_61 : vector<1x2048xf32> to vector<1x1x2048xf32>
    %swap3A_63 = arith.constant 0 : index
    %swap3A_64 = arith.constant 2 : index
    %swap3A_65 = arith.constant 0 : index
    %swap3A_66 = vector.load %arg2[%swap3A_63, %swap3A_64, %swap3A_65] : memref<1x15x2048xf32, #tpu.memory_space<vmem>>, vector<1x1x2048xf32>
    tpu.vector_store %arg2[%swap3A_63, %swap3A_64, %swap3A_65], %reshape3A_62 {strides = array<i32>} : memref<1x15x2048xf32, #tpu.memory_space<vmem>>, vector<1x1x2048xf32>,
    %mul3A_67 = arith.constant 16 : i32
    %mul3A_68 = arith.muli %select_n3A, %mul3A_67 : i32
    %add3A_69 = arith.constant 3 : i32
    %add3A_70 = arith.addi %mul3A_68, %add3A_69 : i32
    %le3A_71 = arith.constant 3 : i32
    %le3A_72 = arith.cmpi sle, %sub3A_17, %le3A_71 : i32
    %jit3A_73 = arith.constant 1 : i32
    %jit3A_74 = arith.constant 0 : i32
    %select_n3A_75 = arith.select %le3A_72, %jit3A_73, %jit3A_74 : i32
    %add3A_76 = arith.addi %add3A_70, %select_n3A_75 : i32
    %get3A_77 = arith.index_cast %add3A_76 : i32 to index
    %get3A_78 = arith.constant 0 : index
    %get3A_79 = vector.load %arg1[%get3A_77, %get3A_78] : memref<48x2048xf32, #tpu.memory_space<vmem>>, vector<1x2048xf32>
    %reshape3A_80 = vector.shape_cast %get3A_79 : vector<1x2048xf32> to vector<1x1x2048xf32>
    %swap3A_81 = arith.constant 0 : index
    %swap3A_82 = arith.constant 3 : index
    %swap3A_83 = arith.constant 0 : index
    %swap3A_84 = vector.load %arg2[%swap3A_81, %swap3A_82, %swap3A_83] : memref<1x15x2048xf32, #tpu.memory_space<vmem>>, vector<1x1x2048xf32>
    tpu.vector_store %arg2[%swap3A_81, %swap3A_82, %swap3A_83], %reshape3A_80 {strides = array<i32>} : memref<1x15x2048xf32, #tpu.memory_space<vmem>>, vector<1x1x2048xf32>,
    %mul3A_85 = arith.constant 16 : i32
    %mul3A_86 = arith.muli %select_n3A, %mul3A_85 : i32
    %add3A_87 = arith.constant 4 : i32
    %add3A_88 = arith.addi %mul3A_86, %add3A_87 : i32
    %le3A_89 = arith.constant 4 : i32
    %le3A_90 = arith.cmpi sle, %sub3A_17, %le3A_89 : i32
    %jit3A_91 = arith.constant 1 : i32
    %jit3A_92 = arith.constant 0 : i32
    %select_n3A_93 = arith.select %le3A_90, %jit3A_91, %jit3A_92 : i32
    %add3A_94 = arith.addi %add3A_88, %select_n3A_93 : i32
    %get3A_95 = arith.index_cast %add3A_94 : i32 to index
    %get3A_96 = arith.constant 0 : index
    %get3A_97 = vector.load %arg1[%get3A_95, %get3A_96] : memref<48x2048xf32, #tpu.memory_space<vmem>>, vector<1x2048xf32>
    %reshape3A_98 = vector.shape_cast %get3A_97 : vector<1x2048xf32> to vector<1x1x2048xf32>
    %swap3A_99 = arith.constant 0 : index
    %swap3A_100 = arith.constant 4 : index
    %swap3A_101 = arith.constant 0 : index
    %swap3A_102 = vector.load %arg2[%swap3A_99, %swap3A_100, %swap3A_101] : memref<1x15x2048xf32, #tpu.memory_space<vmem>>, vector<1x1x2048xf32>
    tpu.vector_store %arg2[%swap3A_99, %swap3A_100, %swap3A_101], %reshape3A_98 {strides = array<i32>} : memref<1x15x2048xf32, #tpu.memory_space<vmem>>, vector<1x1x2048xf32>,
    %mul3A_103 = arith.constant 16 : i32
    %mul3A_104 = arith.muli %select_n3A, %mul3A_103 : i32
    %add3A_105 = arith.constant 5 : i32
    %add3A_106 = arith.addi %mul3A_104, %add3A_105 : i32
    %le3A_107 = arith.constant 5 : i32
    %le3A_108 = arith.cmpi sle, %sub3A_17, %le3A_107 : i32
    %jit3A_109 = arith.constant 1 : i32
    %jit3A_110 = arith.constant 0 : i32
    %select_n3A_111 = arith.select %le3A_108, %jit3A_109, %jit3A_110 : i32
    %add3A_112 = arith.addi %add3A_106, %select_n3A_111 : i32
    %get3A_113 = arith.index_cast %add3A_112 : i32 to index
    %get3A_114 = arith.constant 0 : index
    %get3A_115 = vector.load %arg1[%get3A_113, %get3A_114] : memref<48x2048xf32, #tpu.memory_space<vmem>>, vector<1x2048xf32>
    %reshape3A_116 = vector.shape_cast %get3A_115 : vector<1x2048xf32> to vector<1x1x2048xf32>
    %swap3A_117 = arith.constant 0 : index
    %swap3A_118 = arith.constant 5 : index
    %swap3A_119 = arith.constant 0 : index
    %swap3A_120 = vector.load %arg2[%swap3A_117, %swap3A_118, %swap3A_119] : memref<1x15x2048xf32, #tpu.memory_space<vmem>>, vector<1x1x2048xf32>
    tpu.vector_store %arg2[%swap3A_117, %swap3A_118, %swap3A_119], %reshape3A_116 {strides = array<i32>} : memref<1x15x2048xf32, #tpu.memory_space<vmem>>, vector<1x1x2048xf32>,
    %mul3A_121 = arith.constant 16 : i32
    %mul3A_122 = arith.muli %select_n3A, %mul3A_121 : i32
    %add3A_123 = arith.constant 6 : i32
    %add3A_124 = arith.addi %mul3A_122, %add3A_123 : i32
    %le3A_125 = arith.constant 6 : i32
    %le3A_126 = arith.cmpi sle, %sub3A_17, %le3A_125 : i32
    %jit3A_127 = arith.constant 1 : i32
    %jit3A_128 = arith.constant 0 : i32
    %select_n3A_129 = arith.select %le3A_126, %jit3A_127, %jit3A_128 : i32
    %add3A_130 = arith.addi %add3A_124, %select_n3A_129 : i32
    %get3A_131 = arith.index_cast %add3A_130 : i32 to index
    %get3A_132 = arith.constant 0 : index
    %get3A_133 = vector.load %arg1[%get3A_131, %get3A_132] : memref<48x2048xf32, #tpu.memory_space<vmem>>, vector<1x2048xf32>
    %reshape3A_134 = vector.shape_cast %get3A_133 : vector<1x2048xf32> to vector<1x1x2048xf32>
    %swap3A_135 = arith.constant 0 : index
    %swap3A_136 = arith.constant 6 : index
    %swap3A_137 = arith.constant 0 : index
    %swap3A_138 = vector.load %arg2[%swap3A_135, %swap3A_136, %swap3A_137] : memref<1x15x2048xf32, #tpu.memory_space<vmem>>, vector<1x1x2048xf32>
    tpu.vector_store %arg2[%swap3A_135, %swap3A_136, %swap3A_137], %reshape3A_134 {strides = array<i32>} : memref<1x15x2048xf32, #tpu.memory_space<vmem>>, vector<1x1x2048xf32>,
    %mul3A_139 = arith.constant 16 : i32
    %mul3A_140 = arith.muli %select_n3A, %mul3A_139 : i32
    %add3A_141 = arith.constant 7 : i32
    %add3A_142 = arith.addi %mul3A_140, %add3A_141 : i32
    %le3A_143 = arith.constant 7 : i32
    %le3A_144 = arith.cmpi sle, %sub3A_17, %le3A_143 : i32
    %jit3A_145 = arith.constant 1 : i32
    %jit3A_146 = arith.constant 0 : i32
    %select_n3A_147 = arith.select %le3A_144, %jit3A_145, %jit3A_146 : i32
    %add3A_148 = arith.addi %add3A_142, %select_n3A_147 : i32
    %get3A_149 = arith.index_cast %add3A_148 : i32 to index
    %get3A_150 = arith.constant 0 : index
    %get3A_151 = vector.load %arg1[%get3A_149, %get3A_150] : memref<48x2048xf32, #tpu.memory_space<vmem>>, vector<1x2048xf32>
    %reshape3A_152 = vector.shape_cast %get3A_151 : vector<1x2048xf32> to vector<1x1x2048xf32>
    %swap3A_153 = arith.constant 0 : index
    %swap3A_154 = arith.constant 7 : index
    %swap3A_155 = arith.constant 0 : index
    %swap3A_156 = vector.load %arg2[%swap3A_153, %swap3A_154, %swap3A_155] : memref<1x15x2048xf32, #tpu.memory_space<vmem>>, vector<1x1x2048xf32>
    tpu.vector_store %arg2[%swap3A_153, %swap3A_154, %swap3A_155], %reshape3A_152 {strides = array<i32>} : memref<1x15x2048xf32, #tpu.memory_space<vmem>>, vector<1x1x2048xf32>,
    %mul3A_157 = arith.constant 16 : i32
    %mul3A_158 = arith.muli %select_n3A, %mul3A_157 : i32
    %add3A_159 = arith.constant 8 : i32
    %add3A_160 = arith.addi %mul3A_158, %add3A_159 : i32
    %le3A_161 = arith.constant 8 : i32
    %le3A_162 = arith.cmpi sle, %sub3A_17, %le3A_161 : i32
    %jit3A_163 = arith.constant 1 : i32
    %jit3A_164 = arith.constant 0 : i32
    %select_n3A_165 = arith.select %le3A_162, %jit3A_163, %jit3A_164 : i32
    %add3A_166 = arith.addi %add3A_160, %select_n3A_165 : i32
    %get3A_167 = arith.index_cast %add3A_166 : i32 to index
    %get3A_168 = arith.constant 0 : index
    %get3A_169 = vector.load %arg1[%get3A_167, %get3A_168] : memref<48x2048xf32, #tpu.memory_space<vmem>>, vector<1x2048xf32>
    %reshape3A_170 = vector.shape_cast %get3A_169 : vector<1x2048xf32> to vector<1x1x2048xf32>
    %swap3A_171 = arith.constant 0 : index
    %swap3A_172 = arith.constant 8 : index
    %swap3A_173 = arith.constant 0 : index
    %swap3A_174 = vector.load %arg2[%swap3A_171, %swap3A_172, %swap3A_173] : memref<1x15x2048xf32, #tpu.memory_space<vmem>>, vector<1x1x2048xf32>
    tpu.vector_store %arg2[%swap3A_171, %swap3A_172, %swap3A_173], %reshape3A_170 {strides = array<i32>} : memref<1x15x2048xf32, #tpu.memory_space<vmem>>, vector<1x1x2048xf32>,
    %mul3A_175 = arith.constant 16 : i32
    %mul3A_176 = arith.muli %select_n3A, %mul3A_175 : i32
    %add3A_177 = arith.constant 9 : i32
    %add3A_178 = arith.addi %mul3A_176, %add3A_177 : i32
    %le3A_179 = arith.constant 9 : i32
    %le3A_180 = arith.cmpi sle, %sub3A_17, %le3A_179 : i32
    %jit3A_181 = arith.constant 1 : i32
    %jit3A_182 = arith.constant 0 : i32
    %select_n3A_183 = arith.select %le3A_180, %jit3A_181, %jit3A_182 : i32
    %add3A_184 = arith.addi %add3A_178, %select_n3A_183 : i32
    %get3A_185 = arith.index_cast %add3A_184 : i32 to index
    %get3A_186 = arith.constant 0 : index
    %get3A_187 = vector.load %arg1[%get3A_185, %get3A_186] : memref<48x2048xf32, #tpu.memory_space<vmem>>, vector<1x2048xf32>
    %reshape3A_188 = vector.shape_cast %get3A_187 : vector<1x2048xf32> to vector<1x1x2048xf32>
    %swap3A_189 = arith.constant 0 : index
    %swap3A_190 = arith.constant 9 : index
    %swap3A_191 = arith.constant 0 : index
    %swap3A_192 = vector.load %arg2[%swap3A_189, %swap3A_190, %swap3A_191] : memref<1x15x2048xf32, #tpu.memory_space<vmem>>, vector<1x1x2048xf32>
    tpu.vector_store %arg2[%swap3A_189, %swap3A_190, %swap3A_191], %reshape3A_188 {strides = array<i32>} : memref<1x15x2048xf32, #tpu.memory_space<vmem>>, vector<1x1x2048xf32>,
    %mul3A_193 = arith.constant 16 : i32
    %mul3A_194 = arith.muli %select_n3A, %mul3A_193 : i32
    %add3A_195 = arith.constant 10 : i32
    %add3A_196 = arith.addi %mul3A_194, %add3A_195 : i32
    %le3A_197 = arith.constant 10 : i32
    %le3A_198 = arith.cmpi sle, %sub3A_17, %le3A_197 : i32
    %jit3A_199 = arith.constant 1 : i32
    %jit3A_200 = arith.constant 0 : i32
    %select_n3A_201 = arith.select %le3A_198, %jit3A_199, %jit3A_200 : i32
    %add3A_202 = arith.addi %add3A_196, %select_n3A_201 : i32
    %get3A_203 = arith.index_cast %add3A_202 : i32 to index
    %get3A_204 = arith.constant 0 : index
    %get3A_205 = vector.load %arg1[%get3A_203, %get3A_204] : memref<48x2048xf32, #tpu.memory_space<vmem>>, vector<1x2048xf32>
    %reshape3A_206 = vector.shape_cast %get3A_205 : vector<1x2048xf32> to vector<1x1x2048xf32>
    %swap3A_207 = arith.constant 0 : index
    %swap3A_208 = arith.constant 10 : index
    %swap3A_209 = arith.constant 0 : index
    %swap3A_210 = vector.load %arg2[%swap3A_207, %swap3A_208, %swap3A_209] : memref<1x15x2048xf32, #tpu.memory_space<vmem>>, vector<1x1x2048xf32>
    tpu.vector_store %arg2[%swap3A_207, %swap3A_208, %swap3A_209], %reshape3A_206 {strides = array<i32>} : memref<1x15x2048xf32, #tpu.memory_space<vmem>>, vector<1x1x2048xf32>,
    %mul3A_211 = arith.constant 16 : i32
    %mul3A_212 = arith.muli %select_n3A, %mul3A_211 : i32
    %add3A_213 = arith.constant 11 : i32
    %add3A_214 = arith.addi %mul3A_212, %add3A_213 : i32
    %le3A_215 = arith.constant 11 : i32
    %le3A_216 = arith.cmpi sle, %sub3A_17, %le3A_215 : i32
    %jit3A_217 = arith.constant 1 : i32
    %jit3A_218 = arith.constant 0 : i32
    %select_n3A_219 = arith.select %le3A_216, %jit3A_217, %jit3A_218 : i32
    %add3A_220 = arith.addi %add3A_214, %select_n3A_219 : i32
    %get3A_221 = arith.index_cast %add3A_220 : i32 to index
    %get3A_222 = arith.constant 0 : index
    %get3A_223 = vector.load %arg1[%get3A_221, %get3A_222] : memref<48x2048xf32, #tpu.memory_space<vmem>>, vector<1x2048xf32>
    %reshape3A_224 = vector.shape_cast %get3A_223 : vector<1x2048xf32> to vector<1x1x2048xf32>
    %swap3A_225 = arith.constant 0 : index
    %swap3A_226 = arith.constant 11 : index
    %swap3A_227 = arith.constant 0 : index
    %swap3A_228 = vector.load %arg2[%swap3A_225, %swap3A_226, %swap3A_227] : memref<1x15x2048xf32, #tpu.memory_space<vmem>>, vector<1x1x2048xf32>
    tpu.vector_store %arg2[%swap3A_225, %swap3A_226, %swap3A_227], %reshape3A_224 {strides = array<i32>} : memref<1x15x2048xf32, #tpu.memory_space<vmem>>, vector<1x1x2048xf32>,
    %mul3A_229 = arith.constant 16 : i32
    %mul3A_230 = arith.muli %select_n3A, %mul3A_229 : i32
    %add3A_231 = arith.constant 12 : i32
    %add3A_232 = arith.addi %mul3A_230, %add3A_231 : i32
    %le3A_233 = arith.constant 12 : i32
    %le3A_234 = arith.cmpi sle, %sub3A_17, %le3A_233 : i32
    %jit3A_235 = arith.constant 1 : i32
    %jit3A_236 = arith.constant 0 : i32
    %select_n3A_237 = arith.select %le3A_234, %jit3A_235, %jit3A_236 : i32
    %add3A_238 = arith.addi %add3A_232, %select_n3A_237 : i32
    %get3A_239 = arith.index_cast %add3A_238 : i32 to index
    %get3A_240 = arith.constant 0 : index
    %get3A_241 = vector.load %arg1[%get3A_239, %get3A_240] : memref<48x2048xf32, #tpu.memory_space<vmem>>, vector<1x2048xf32>
    %reshape3A_242 = vector.shape_cast %get3A_241 : vector<1x2048xf32> to vector<1x1x2048xf32>
    %swap3A_243 = arith.constant 0 : index
    %swap3A_244 = arith.constant 12 : index
    %swap3A_245 = arith.constant 0 : index
    %swap3A_246 = vector.load %arg2[%swap3A_243, %swap3A_244, %swap3A_245] : memref<1x15x2048xf32, #tpu.memory_space<vmem>>, vector<1x1x2048xf32>
    tpu.vector_store %arg2[%swap3A_243, %swap3A_244, %swap3A_245], %reshape3A_242 {strides = array<i32>} : memref<1x15x2048xf32, #tpu.memory_space<vmem>>, vector<1x1x2048xf32>,
    %mul3A_247 = arith.constant 16 : i32
    %mul3A_248 = arith.muli %select_n3A, %mul3A_247 : i32
    %add3A_249 = arith.constant 13 : i32
    %add3A_250 = arith.addi %mul3A_248, %add3A_249 : i32
    %le3A_251 = arith.constant 13 : i32
    %le3A_252 = arith.cmpi sle, %sub3A_17, %le3A_251 : i32
    %jit3A_253 = arith.constant 1 : i32
    %jit3A_254 = arith.constant 0 : i32
    %select_n3A_255 = arith.select %le3A_252, %jit3A_253, %jit3A_254 : i32
    %add3A_256 = arith.addi %add3A_250, %select_n3A_255 : i32
    %get3A_257 = arith.index_cast %add3A_256 : i32 to index
    %get3A_258 = arith.constant 0 : index
    %get3A_259 = vector.load %arg1[%get3A_257, %get3A_258] : memref<48x2048xf32, #tpu.memory_space<vmem>>, vector<1x2048xf32>
    %reshape3A_260 = vector.shape_cast %get3A_259 : vector<1x2048xf32> to vector<1x1x2048xf32>
    %swap3A_261 = arith.constant 0 : index
    %swap3A_262 = arith.constant 13 : index
    %swap3A_263 = arith.constant 0 : index
    %swap3A_264 = vector.load %arg2[%swap3A_261, %swap3A_262, %swap3A_263] : memref<1x15x2048xf32, #tpu.memory_space<vmem>>, vector<1x1x2048xf32>
    tpu.vector_store %arg2[%swap3A_261, %swap3A_262, %swap3A_263], %reshape3A_260 {strides = array<i32>} : memref<1x15x2048xf32, #tpu.memory_space<vmem>>, vector<1x1x2048xf32>,
    %mul3A_265 = arith.constant 16 : i32
    %mul3A_266 = arith.muli %select_n3A, %mul3A_265 : i32
    %add3A_267 = arith.constant 14 : i32
    %add3A_268 = arith.addi %mul3A_266, %add3A_267 : i32
    %le3A_269 = arith.constant 14 : i32
    %le3A_270 = arith.cmpi sle, %sub3A_17, %le3A_269 : i32
    %jit3A_271 = arith.constant 1 : i32
    %jit3A_272 = arith.constant 0 : i32
    %select_n3A_273 = arith.select %le3A_270, %jit3A_271, %jit3A_272 : i32
    %add3A_274 = arith.addi %add3A_268, %select_n3A_273 : i32
    %get3A_275 = arith.index_cast %add3A_274 : i32 to index
    %get3A_276 = arith.constant 0 : index
    %get3A_277 = vector.load %arg1[%get3A_275, %get3A_276] : memref<48x2048xf32, #tpu.memory_space<vmem>>, vector<1x2048xf32>
    %reshape3A_278 = vector.shape_cast %get3A_277 : vector<1x2048xf32> to vector<1x1x2048xf32>
    %swap3A_279 = arith.constant 0 : index
    %swap3A_280 = arith.constant 14 : index
    %swap3A_281 = arith.constant 0 : index
    %swap3A_282 = vector.load %arg2[%swap3A_279, %swap3A_280, %swap3A_281] : memref<1x15x2048xf32, #tpu.memory_space<vmem>>, vector<1x1x2048xf32>
    tpu.vector_store %arg2[%swap3A_279, %swap3A_280, %swap3A_281], %reshape3A_278 {strides = array<i32>} : memref<1x15x2048xf32, #tpu.memory_space<vmem>>, vector<1x1x2048xf32>,
    return
  }
  func.func @transform_0(%arg0: i32) -> (i32, i32) {
    %c0_i32 = arith.constant 0 : i32
    %c0_i32_0 = arith.constant 0 : i32
    %c0_i32_1 = arith.constant 0 : i32
    return %c0_i32, %c0_i32_0 : i32, i32
  }
  func.func @transform_1(%arg0: i32) -> (i32, i32, i32) {
    %c0_i32 = arith.constant 0 : i32
    %c0_i32_0 = arith.constant 0 : i32
    %c0_i32_1 = arith.constant 0 : i32
    return %arg0, %c0_i32, %c0_i32_0 : i32, i32, i32
  }
}

</mosaic_0001>

<sc_bundles>
// kernel: kernel.4.cloned.1.call-start
scs
__scs_entry_jumppad:
0x0: {  	(pc) =	sbr.rel $0x88, $3  }
0x1: {  	(tag) =	ssettag $0x0;
	lr =	simm.s32 $0x1  }
0x2: {  	[smem:$0x3F9D] =	sst lr;
	_ =	strace $0xD0000000  }
0x3: {  	_ = 	snop  }
0x4: {  	_ = 	snop  }
0x5: {  	_ = 	snop  }
0x6: {  	_ = 	snop  }
0x7: {  	_ = 	snop  }
__scs_overlays_trampoline_lowered:
0x8: {  	[smem:$0x3FAC] =	sst s0  }
0x9: {  	[smem:$0x3FAD] =	sst s1  }
0xa: {  	[smem:$0x3FAE] =	sst s2  }
0xb: {  	[smem:$0x3FAF] =	sst s3  }
0xc: {  	[smem:$0x3FB0] =	sst s4  }
0xd: {  	[smem:$0x3FB1] =	sst s5  }
0xe: {  	[smem:$0x3FB2] =	sst s6  }
0xf: {  	[smem:$0x3FB3] =	sst s7  }
0x10: {  	[smem:$0x3FB4] =	sst s8  }
0x11: {  	[smem:$0x3FB5] =	sst s9;
	s0 =	simm.s32 @!p0 $0x0  }
0x12: {  	s1 =	sld [smem:$0x3F9B];
	s0 =	simm.s32 @p0 $0x1  }
0x13: {  	[smem:$0x3FB6] =	sst s0;
	s0 =	simm.s32 @!p1 $0x0  }
0x14: {  	s2 =	sld [smem:$0x3F9A];
	s0 =	simm.s32 @p1 $0x1  }
0x15: {  	[smem:$0x3FB7] =	sst s0;
	s0 =	simm.s32 @!p2 $0x0  }
0x16: {  	s3 =	sld [smem:$0x3FDB];
	s0 =	simm.s32 @p2 $0x1  }
0x17: {  	s4 =	simm.s32 $0x1BF5;
	[smem:$0x3FB9] =	sst s0  }
0x18: {  	s0 =	sld [smem:$0x3F9C];
	_ =	swait.ge [sflag:s4], $0x0  }
0x19: {  	s7 =	sld [smem:$0x3F9D]  }
0x1a: {  	s8 =	sadd.s32 $0xFFFFE003, lr  }
0x1b: {  	s9 =	sadd.s32 $0xFFFFFEF7, lr;
	s5 =	simm.s32 $0xFFFFFFFF;
	p2 =	slt.u32 s8, $0xFFFFF086  }
0x1c: {  	p1 =	slt.u32 s9, $0xF7A;
	s5 =	simm.s32 @!p2 $0x0  }
0x1d: {  	s5 =	simm.s32 @p1 $0x1;
	p0 =	seq.s32 s7, s2  }
0x1e: {  	s7 =	smul.u32 @!p0 $0xF7A, s2;
	p2 =	seq.s32 @!p0 s5, $0x0  }
0x1f: {  	s9 =	smul.u32 $0xF7A, s1;
	s8 =	simm.s32 @!p0 $0x1BF5;
	p2 =	por !p2, p0  }
0x20: {  	[sflag:s8] =	ssyncset.s32 @!p0 $0xFFFFF086;
	s6 =	sadd.s32 @!p0 s3, s7;
	s7 =	simm.s32 @!p0 $0x108  }
0x21: {  	s3 =	sadd.s32 s3, s9;
	s6 =	sadd.s32 @!p0 $0x88, s6;
	s7 =	simm.s32 @p2 $0x1082  }
0x22: {  	[simem:s7], [sflag:s8] =	dma.local @!p0 [hbm:s6], $0xF7A  }
0x23: {  	s9 =	sor.u32 $0xD0000000, s2;
	s6 =	simm.s32 $0x108;
	_ =	swait.ge @!p0 [sflag:s8], $0x0  }
0x24: {  	s3 =	sadd.s32 $0x88, s3;
	s6 =	simm.s32 @!p1 $0x1082;
	[sflag:s4] =	ssyncset.s32 $0xFFFFF086  }
0x25: {  	[simem:s6], [sflag:s4] =	dma.local [hbm:s3], $0xF7A  }
0x26: {  	[smem:$0x3F9D] =	sst s1;
	(tag) =	ssettag s2;
	_ =	strace s9  }
0x27: {  	s1 =	sld [smem:$0x3FAD]  }
0x28: {  	s2 =	sld [smem:$0x3FAE]  }
0x29: {  	s4 =	sld [smem:$0x3FB0]  }
0x2a: {  	p0 =	seq.s32 s5, $0x0;
	s5 =	sld [smem:$0x3FB1]  }
0x2b: {  	s6 =	sld [smem:$0x3FB2]  }
0x2c: {  	s7 =	sld [smem:$0x3FB3]  }
0x2d: {  	s3 =	simm.s32 $0x108;
	s8 =	sld [smem:$0x3FB4]  }
0x2e: {  	s3 =	simm.s32 @!p0 $0x1082;
	s9 =	sld [smem:$0x3FB5]  }
0x2f: {  	lr =	sadd.s32 s0, s3;
	s0 =	sld [smem:$0x3FAC]  }
0x30: {  	s3 =	sld [smem:$0x3FAF]  }
0x31: {  	[smem:$0x3FB8] =	sst s10  }
0x32: {  	s10 =	sld [smem:$0x3FB6];
	_ =	sdelay $0x3  }
0x33: {  	p0 =	seq.s32 s10, $0x1;
	s10 =	sld [smem:$0x3FB8];
	_ =	sdelay $0x3  }
0x34: {  	[smem:$0x3FB8] =	sst s10  }
0x35: {  	s10 =	sld [smem:$0x3FB7];
	_ =	sdelay $0x3  }
0x36: {  	p1 =	seq.s32 s10, $0x1;
	s10 =	sld [smem:$0x3FB8];
	_ =	sdelay $0x3  }
0x37: {  	[smem:$0x3FB8] =	sst s10  }
0x38: {  	s10 =	sld [smem:$0x3FB9]  }
0x39: {  	_ = 	snop;
	(pc) =	sbr.ind lr, $3  }
0x3a: {  	_ = 	snop  }
0x3b: {  	_ = 	snop  }
0x3c: {  	p2 =	seq.s32 s10, $0x1;
	s10 =	sld [smem:$0x3FB8]  }
0x3d: {  	_ =	shalt  }
0x3e: {  	_ =	shalt  }
0x3f: {  	_ =	shalt  }
0x40: {  	_ =	shalt  }
0x41: {  	_ =	shalt  }
0x42: {  	_ =	shalt  }
0x43: {  	_ =	shalt  }
0x44: {  	_ =	shalt  }
0x45: {  	_ =	shalt  }
0x46: {  	_ =	shalt  }
0x47: {  	_ =	shalt  }
0x48: {  	_ =	shalt  }
0x49: {  	_ =	shalt  }
0x4a: {  	_ =	shalt  }
0x4b: {  	_ =	shalt  }
0x4c: {  	_ =	shalt  }
0x4d: {  	_ =	shalt  }
0x4e: {  	_ =	shalt  }
0x4f: {  	_ =	shalt  }
0x50: {  	_ =	shalt  }
0x51: {  	_ =	shalt  }
0x52: {  	_ =	shalt  }
0x53: {  	_ =	shalt  }
0x54: {  	_ =	shalt  }
0x55: {  	_ =	shalt  }
0x56: {  	_ =	shalt  }
0x57: {  	_ =	shalt  }
0x58: {  	_ =	shalt  }
0x59: {  	_ =	shalt  }
0x5a: {  	_ =	shalt  }
0x5b: {  	_ =	shalt  }
0x5c: {  	_ =	shalt  }
0x5d: {  	_ =	shalt  }
0x5e: {  	_ =	shalt  }
0x5f: {  	_ =	shalt  }
0x60: {  	_ =	shalt  }
0x61: {  	_ =	shalt  }
0x62: {  	_ =	shalt  }
0x63: {  	_ =	shalt  }
0x64: {  	_ =	shalt  }
0x65: {  	_ =	shalt  }
0x66: {  	_ =	shalt  }
0x67: {  	_ =	shalt  }
0x68: {  	_ =	shalt  }
0x69: {  	_ =	shalt  }
0x6a: {  	_ =	shalt  }
0x6b: {  	_ =	shalt  }
0x6c: {  	_ =	shalt  }
0x6d: {  	_ =	shalt  }
0x6e: {  	_ =	shalt  }
0x6f: {  	_ =	shalt  }
0x70: {  	_ =	shalt  }
0x71: {  	_ =	shalt  }
0x72: {  	_ =	shalt  }
0x73: {  	_ =	shalt  }
0x74: {  	_ =	shalt  }
0x75: {  	_ =	shalt  }
0x76: {  	_ =	shalt  }
0x77: {  	_ =	shalt  }
0x78: {  	_ =	shalt  }
0x79: {  	_ =	shalt  }
0x7a: {  	_ =	shalt  }
0x7b: {  	_ =	shalt  }
0x7c: {  	_ =	shalt  }
0x7d: {  	_ =	shalt  }
0x7e: {  	_ =	shalt  }
0x7f: {  	_ =	shalt  }
0x80: {  	_ =	shalt  }
0x81: {  	_ =	shalt  }
0x82: {  	_ =	shalt  }
0x83: {  	_ =	shalt  }
0x84: {  	_ =	shalt  }
0x85: {  	_ =	shalt  }
0x86: {  	_ =	shalt  }
0x87: {  	_ =	shalt  }
.Lfunc_end0:
.L_simem_size_0:
called_computation_lowered:
.L_overlay_start_0:
0x88: {  	s2 =	sld [smem:$0x3FD9]  }
0x89: {  	s3 =	sld [smem:$0x3FFE];
	_ =	sdelay $0x1  }
0x8a: {  	s1 =	srdreg.scid  }
0x8b: {  	s0 =	sand.u32 $0x1, s1  }
0x8c: {  	s25 =	sshll.u32 s0, $0xA;
	s2 =	sadd.s32 s3, s2  }
0x8d: {  	s2 =	sadd.s32 s2, s25  }
0x8e: {  	[smem:$0x3FC4] =	sst s2  }
0x8f: {  	s2 =	simm.s32 $0x0  }
0x90: {  	[smem:$0xF] =	sst s2  }
0x91: {  	s26 =	sld [smem:$0x3FD0];
	(tm) =	ssettm $0x1  }
0x92: {  	s4 =	sld [smem:$0x3FFB];
	_ =	sdelay $0x3  }
0x93: {  	_ =	strace s4  }
0x94: {  	s4 =	sld [smem:$0x3FFC];
	_ =	sdelay $0x3  }
0x95: {  	_ =	strace s4  }
0x96: {  	s4 =	sld [smem:$0x3FFD];
	_ =	sdelay $0x3  }
0x97: {  	_ =	strace s4  }
0x98: {  	s28 =	simm.s32 $0x1B8B;
	_ =	strace $0x8FFFFFFF  }
0x99: {  	_ =	swait.ge [sflag:s28], $0x1  }
0x9a: {  	s5 =	sld [smem:$0x3FFE];
	_ =	sdelay $0x1  }
0x9b: {  	[sflag:s28] =	ssyncset.done $0x0  }
0x9c: {  	s29 =	simm.s32 $0x1B8E;
	s30 =	sshll.u32 s0, $0x7;
	[sflag:s28] =	ssyncadd.s32 $0xFFFFFFFF  }
0x9d: {  	s6 =	simm.s32 $0x9;
	[smem:$0x3FD2] =	sst s29;
	s4 =	sadd.s32 s30, s5  }
0x9e: {  	s7 =	simm.s32 $0x10;
	_ =	strace $0x80000046;
	s4 =	sadd.s32 $0x200, s4  }
0x9f: {  	[smem:s7], [sflag:s6] =	dma.local [hbm:s4], $0x80  }
0xa0: {  	_ =	swait.ge [sflag:s6], $0x80  }
0xa1: {  	[sflag:s6] =	ssyncset.done $0x0  }
0xa2: {  	[sflag:s6] =	ssyncadd.s32 $0xFFFFFF80;
	_ =	sdelay $0x1  }
0xa3: {  	[spmem:s2], [sflag:s6] =	dma.local [hbm:s26], $0x30000  }
0xa4: {  	s31 =	sshll.u32 s0, $0x16;
	_ =	swait.ge [sflag:s6], $0x30000  }
0xa5: {  	s3 =	sadd.s32 s31, s5;
	s5 =	simm.s32 $0xA;
	[sflag:s6] =	ssyncset.done $0x0  }
0xa6: {  	s3 =	sadd.s32 $0x400, s3;
	s4 =	simm.s32 $0x18;
	[sflag:s6] =	ssyncadd.s32 $0xFFFD0000  }
.LBB1_1:
0xa7: {  	s6 =	sld [smem:s4+$0xFFFFFFF8];
	_ =	sdelay $0x3  }
0xa8: {  	s6 =	sshll.u32 s6, $0x11  }
0xa9: {  	s7 =	sshra.s32 s6, $0x2  }
0xaa: {  	s17 =	sadd.s32 s2, s3;
	s7 =	sshrl.u32 s7, $0x3  }
0xab: {  	[hbm:s17], [sflag:s5] =	dma.local [spmem:s7], $0x1000  }
0xac: {  	s7 =	sld [smem:s4+$0xFFFFFFF9];
	_ =	sdelay $0x3  }
0xad: {  	s7 =	sshll.u32 s7, $0x11  }
0xae: {  	s7 =	sshra.s32 s7, $0x2  }
0xaf: {  	s8 =	sadd.s32 $0x1000, s17;
	s7 =	sshrl.u32 s7, $0x3  }
0xb0: {  	[hbm:s8], [sflag:s5] =	dma.local [spmem:s7], $0x1000  }
0xb1: {  	s7 =	sld [smem:s4+$0xFFFFFFFA];
	_ =	sdelay $0x3  }
0xb2: {  	s7 =	sshll.u32 s7, $0x11  }
0xb3: {  	s7 =	sshra.s32 s7, $0x2  }
0xb4: {  	s18 =	sadd.s32 $0x2000, s17;
	s7 =	sshrl.u32 s7, $0x3  }
0xb5: {  	[hbm:s18], [sflag:s5] =	dma.local [spmem:s7], $0x1000  }
0xb6: {  	s7 =	sld [smem:s4+$0xFFFFFFFB];
	_ =	sdelay $0x3  }
0xb7: {  	s7 =	sshll.u32 s7, $0x11  }
0xb8: {  	s7 =	sshra.s32 s7, $0x2  }
0xb9: {  	s19 =	sadd.s32 $0x3000, s17;
	s7 =	sshrl.u32 s7, $0x3  }
0xba: {  	[hbm:s19], [sflag:s5] =	dma.local [spmem:s7], $0x1000  }
0xbb: {  	s7 =	sld [smem:s4+$0xFFFFFFFC];
	_ =	sdelay $0x3  }
0xbc: {  	s7 =	sshll.u32 s7, $0x11  }
0xbd: {  	s7 =	sshra.s32 s7, $0x2  }
0xbe: {  	s20 =	sadd.s32 $0x4000, s17;
	s7 =	sshrl.u32 s7, $0x3  }
0xbf: {  	[hbm:s20], [sflag:s5] =	dma.local [spmem:s7], $0x1000  }
0xc0: {  	s7 =	sld [smem:s4+$0xFFFFFFFD];
	_ =	sdelay $0x3  }
0xc1: {  	s7 =	sshll.u32 s7, $0x11  }
0xc2: {  	s7 =	sshra.s32 s7, $0x2  }
0xc3: {  	s21 =	sadd.s32 $0x5000, s17;
	s7 =	sshrl.u32 s7, $0x3  }
0xc4: {  	[hbm:s21], [sflag:s5] =	dma.local [spmem:s7], $0x1000  }
0xc5: {  	s7 =	sld [smem:s4+$0xFFFFFFFE];
	_ =	sdelay $0x3  }
0xc6: {  	s7 =	sshll.u32 s7, $0x11  }
0xc7: {  	s7 =	sshra.s32 s7, $0x2  }
0xc8: {  	s22 =	sadd.s32 $0x6000, s17;
	s7 =	sshrl.u32 s7, $0x3  }
0xc9: {  	[hbm:s22], [sflag:s5] =	dma.local [spmem:s7], $0x1000  }
0xca: {  	s7 =	sld [smem:s4+$0xFFFFFFFF];
	_ =	sdelay $0x3  }
0xcb: {  	s7 =	sshll.u32 s7, $0x11  }
0xcc: {  	s7 =	sshra.s32 s7, $0x2  }
0xcd: {  	s23 =	sadd.s32 $0x7000, s17;
	s7 =	sshrl.u32 s7, $0x3  }
0xce: {  	[hbm:s23], [sflag:s5] =	dma.local [spmem:s7], $0x1000  }
0xcf: {  	s7 =	sld [smem:s4+$0x0];
	_ =	sdelay $0x3  }
0xd0: {  	s7 =	sshll.u32 s7, $0x11  }
0xd1: {  	s7 =	sshra.s32 s7, $0x2  }
0xd2: {  	s24 =	sadd.s32 $0x8000, s17;
	s7 =	sshrl.u32 s7, $0x3  }
0xd3: {  	[hbm:s24], [sflag:s5] =	dma.local [spmem:s7], $0x1000  }
0xd4: {  	s7 =	sld [smem:s4+$0x1];
	_ =	sdelay $0x3  }
0xd5: {  	s7 =	sshll.u32 s7, $0x11  }
0xd6: {  	s7 =	sshra.s32 s7, $0x2  }
0xd7: {  	s25 =	sadd.s32 $0x9000, s17;
	s7 =	sshrl.u32 s7, $0x3  }
0xd8: {  	[hbm:s25], [sflag:s5] =	dma.local [spmem:s7], $0x1000  }
0xd9: {  	s7 =	sld [smem:s4+$0x2];
	_ =	sdelay $0x3  }
0xda: {  	s7 =	sshll.u32 s7, $0x11  }
0xdb: {  	s7 =	sshra.s32 s7, $0x2  }
0xdc: {  	s26 =	sadd.s32 $0xA000, s17;
	s7 =	sshrl.u32 s7, $0x3  }
0xdd: {  	[hbm:s26], [sflag:s5] =	dma.local [spmem:s7], $0x1000  }
0xde: {  	s7 =	sld [smem:s4+$0x3];
	_ =	sdelay $0x3  }
0xdf: {  	s7 =	sshll.u32 s7, $0x11  }
0xe0: {  	s7 =	sshra.s32 s7, $0x2  }
0xe1: {  	s28 =	sadd.s32 $0xB000, s17;
	s7 =	sshrl.u32 s7, $0x3  }
0xe2: {  	[hbm:s28], [sflag:s5] =	dma.local [spmem:s7], $0x1000  }
0xe3: {  	s7 =	sld [smem:s4+$0x4];
	_ =	sdelay $0x3  }
0xe4: {  	s7 =	sshll.u32 s7, $0x11  }
0xe5: {  	s7 =	sshra.s32 s7, $0x2  }
0xe6: {  	s29 =	sadd.s32 $0xC000, s17;
	s7 =	sshrl.u32 s7, $0x3  }
0xe7: {  	[hbm:s29], [sflag:s5] =	dma.local [spmem:s7], $0x1000  }
0xe8: {  	s7 =	sld [smem:s4+$0x5];
	_ =	sdelay $0x3  }
0xe9: {  	s7 =	sshll.u32 s7, $0x11  }
0xea: {  	s7 =	sshra.s32 s7, $0x2  }
0xeb: {  	s30 =	sadd.s32 $0xD000, s17;
	s7 =	sshrl.u32 s7, $0x3  }
0xec: {  	[hbm:s30], [sflag:s5] =	dma.local [spmem:s7], $0x1000  }
0xed: {  	s7 =	sld [smem:s4+$0x6];
	_ =	sdelay $0x3  }
0xee: {  	s7 =	sshll.u32 s7, $0x11  }
0xef: {  	s7 =	sshra.s32 s7, $0x2  }
0xf0: {  	s31 =	sadd.s32 $0xE000, s17;
	s7 =	sshrl.u32 s7, $0x3  }
0xf1: {  	[hbm:s31], [sflag:s5] =	dma.local [spmem:s7], $0x1000  }
0xf2: {  	s7 =	sld [smem:s4+$0x7];
	_ =	sdelay $0x3  }
0xf3: {  	s7 =	sshll.u32 s7, $0x11  }
0xf4: {  	s7 =	sshra.s32 s7, $0x2  }
0xf5: {  	p0 =	seq.s32 s2, $0x0;
	s6 =	sadd.s32 $0xF000, s17;
	s7 =	sshrl.u32 s7, $0x3  }
0xf6: {  	[hbm:s6], [sflag:s5] =	dma.local [spmem:s7], $0x1000  }
0xf7: {  	s6 =	simm.s32 @!p0 $0xA  }
0xf8: {  	_ =	swait.ge @!p0 [sflag:s6], $0x1000  }
0xf9: {  	[sflag:s6] =	ssyncset.done @!p0 $0x0  }
0xfa: {  	[sflag:s6] =	ssyncadd.s32 @!p0 $0xFFFFF000;
	_ =	sdelay $0x2  }
0xfb: {  	_ =	swait.ge @!p0 [sflag:s6], $0x1000  }
0xfc: {  	[sflag:s6] =	ssyncset.done @!p0 $0x0  }
0xfd: {  	[sflag:s6] =	ssyncadd.s32 @!p0 $0xFFFFF000;
	_ =	sdelay $0x2  }
0xfe: {  	_ =	swait.ge @!p0 [sflag:s6], $0x1000  }
0xff: {  	[sflag:s6] =	ssyncset.done @!p0 $0x0  }
0x100: {  	[sflag:s6] =	ssyncadd.s32 @!p0 $0xFFFFF000;
	_ =	sdelay $0x2  }
0x101: {  	_ =	swait.ge @!p0 [sflag:s6], $0x1000  }
0x102: {  	[sflag:s6] =	ssyncset.done @!p0 $0x0  }
0x103: {  	[sflag:s6] =	ssyncadd.s32 @!p0 $0xFFFFF000;
	_ =	sdelay $0x2  }
0x104: {  	_ =	swait.ge @!p0 [sflag:s6], $0x1000  }
0x105: {  	[sflag:s6] =	ssyncset.done @!p0 $0x0  }
0x106: {  	[sflag:s6] =	ssyncadd.s32 @!p0 $0xFFFFF000;
	_ =	sdelay $0x2  }
0x107: {  	_ =	swait.ge @!p0 [sflag:s6], $0x1000  }
0x108: {  	[sflag:s6] =	ssyncset.done @!p0 $0x0  }
0x109: {  	[sflag:s6] =	ssyncadd.s32 @!p0 $0xFFFFF000;
	_ =	sdelay $0x2  }
0x10a: {  	_ =	swait.ge @!p0 [sflag:s6], $0x1000  }
0x10b: {  	[sflag:s6] =	ssyncset.done @!p0 $0x0  }
0x10c: {  	[sflag:s6] =	ssyncadd.s32 @!p0 $0xFFFFF000;
	_ =	sdelay $0x2  }
0x10d: {  	_ =	swait.ge @!p0 [sflag:s6], $0x1000  }
0x10e: {  	[sflag:s6] =	ssyncset.done @!p0 $0x0  }
0x10f: {  	[sflag:s6] =	ssyncadd.s32 @!p0 $0xFFFFF000;
	_ =	sdelay $0x2  }
0x110: {  	_ =	swait.ge @!p0 [sflag:s6], $0x1000  }
0x111: {  	[sflag:s6] =	ssyncset.done @!p0 $0x0  }
0x112: {  	[sflag:s6] =	ssyncadd.s32 @!p0 $0xFFFFF000;
	_ =	sdelay $0x2  }
0x113: {  	_ =	swait.ge @!p0 [sflag:s6], $0x1000  }
0x114: {  	[sflag:s6] =	ssyncset.done @!p0 $0x0  }
0x115: {  	[sflag:s6] =	ssyncadd.s32 @!p0 $0xFFFFF000;
	_ =	sdelay $0x2  }
0x116: {  	_ =	swait.ge @!p0 [sflag:s6], $0x1000  }
0x117: {  	[sflag:s6] =	ssyncset.done @!p0 $0x0  }
0x118: {  	[sflag:s6] =	ssyncadd.s32 @!p0 $0xFFFFF000;
	_ =	sdelay $0x2  }
0x119: {  	_ =	swait.ge @!p0 [sflag:s6], $0x1000  }
0x11a: {  	[sflag:s6] =	ssyncset.done @!p0 $0x0  }
0x11b: {  	[sflag:s6] =	ssyncadd.s32 @!p0 $0xFFFFF000;
	_ =	sdelay $0x2  }
0x11c: {  	_ =	swait.ge @!p0 [sflag:s6], $0x1000  }
0x11d: {  	[sflag:s6] =	ssyncset.done @!p0 $0x0  }
0x11e: {  	[sflag:s6] =	ssyncadd.s32 @!p0 $0xFFFFF000;
	_ =	sdelay $0x2  }
0x11f: {  	_ =	swait.ge @!p0 [sflag:s6], $0x1000  }
0x120: {  	[sflag:s6] =	ssyncset.done @!p0 $0x0  }
0x121: {  	[sflag:s6] =	ssyncadd.s32 @!p0 $0xFFFFF000;
	_ =	sdelay $0x2  }
0x122: {  	_ =	swait.ge @!p0 [sflag:s6], $0x1000  }
0x123: {  	[sflag:s6] =	ssyncset.done @!p0 $0x0  }
0x124: {  	s2 =	sadd.s32 $0x10000, s2;
	[sflag:s6] =	ssyncadd.s32 @!p0 $0xFFFFF000  }
0x125: {  	p1 =	sne.s32 s2, $0x400000  }
.Ltmp0:
0x126: {  	_ = 	snop;
	(pc) =	sbr.rel @p1 .LBB1_1-.Ltmp0, $3  }
0x127: {  	_ =	swait.ge @!p0 [sflag:s6], $0x1000  }
0x128: {  	[sflag:s6] =	ssyncset.done @!p0 $0x0  }
0x129: {  	s4 =	sadd.s32 $0x10, s4;
	[sflag:s6] =	ssyncadd.s32 @!p0 $0xFFFFF000  }
0x12a: {  	_ = 	snop  }
0x12b: {  	s2 =	simm.s32 $0xA  }
0x12c: {  	_ =	swait.ge [sflag:s2], $0x1000  }
0x12d: {  	[sflag:s2] =	ssyncset.done $0x0  }
0x12e: {  	[sflag:s2] =	ssyncadd.s32 $0xFFFFF000;
	_ =	sdelay $0x2  }
0x12f: {  	_ =	swait.ge [sflag:s2], $0x1000  }
0x130: {  	[sflag:s2] =	ssyncset.done $0x0  }
0x131: {  	[sflag:s2] =	ssyncadd.s32 $0xFFFFF000;
	_ =	sdelay $0x2  }
0x132: {  	_ =	swait.ge [sflag:s2], $0x1000  }
0x133: {  	[sflag:s2] =	ssyncset.done $0x0  }
0x134: {  	[sflag:s2] =	ssyncadd.s32 $0xFFFFF000;
	_ =	sdelay $0x2  }
0x135: {  	_ =	swait.ge [sflag:s2], $0x1000  }
0x136: {  	[sflag:s2] =	ssyncset.done $0x0  }
0x137: {  	[sflag:s2] =	ssyncadd.s32 $0xFFFFF000;
	_ =	sdelay $0x2  }
0x138: {  	_ =	swait.ge [sflag:s2], $0x1000  }
0x139: {  	[sflag:s2] =	ssyncset.done $0x0  }
0x13a: {  	[sflag:s2] =	ssyncadd.s32 $0xFFFFF000;
	_ =	sdelay $0x2  }
0x13b: {  	_ =	swait.ge [sflag:s2], $0x1000  }
0x13c: {  	[sflag:s2] =	ssyncset.done $0x0  }
0x13d: {  	[sflag:s2] =	ssyncadd.s32 $0xFFFFF000;
	_ =	sdelay $0x2  }
0x13e: {  	_ =	swait.ge [sflag:s2], $0x1000  }
0x13f: {  	[sflag:s2] =	ssyncset.done $0x0  }
0x140: {  	[sflag:s2] =	ssyncadd.s32 $0xFFFFF000;
	_ =	sdelay $0x2  }
0x141: {  	_ =	swait.ge [sflag:s2], $0x1000  }
0x142: {  	[sflag:s2] =	ssyncset.done $0x0  }
0x143: {  	[sflag:s2] =	ssyncadd.s32 $0xFFFFF000;
	_ =	sdelay $0x2  }
0x144: {  	_ =	swait.ge [sflag:s2], $0x1000  }
0x145: {  	[sflag:s2] =	ssyncset.done $0x0  }
0x146: {  	[sflag:s2] =	ssyncadd.s32 $0xFFFFF000;
	_ =	sdelay $0x2  }
0x147: {  	_ =	swait.ge [sflag:s2], $0x1000  }
0x148: {  	[sflag:s2] =	ssyncset.done $0x0  }
0x149: {  	[sflag:s2] =	ssyncadd.s32 $0xFFFFF000;
	_ =	sdelay $0x2  }
0x14a: {  	_ =	swait.ge [sflag:s2], $0x1000  }
0x14b: {  	[sflag:s2] =	ssyncset.done $0x0  }
0x14c: {  	[sflag:s2] =	ssyncadd.s32 $0xFFFFF000;
	_ =	sdelay $0x2  }
0x14d: {  	_ =	swait.ge [sflag:s2], $0x1000  }
0x14e: {  	[sflag:s2] =	ssyncset.done $0x0  }
0x14f: {  	[sflag:s2] =	ssyncadd.s32 $0xFFFFF000;
	_ =	sdelay $0x2  }
0x150: {  	_ =	swait.ge [sflag:s2], $0x1000  }
0x151: {  	[sflag:s2] =	ssyncset.done $0x0  }
0x152: {  	[sflag:s2] =	ssyncadd.s32 $0xFFFFF000;
	_ =	sdelay $0x2  }
0x153: {  	_ =	swait.ge [sflag:s2], $0x1000  }
0x154: {  	[sflag:s2] =	ssyncset.done $0x0  }
0x155: {  	[sflag:s2] =	ssyncadd.s32 $0xFFFFF000;
	_ =	sdelay $0x2  }
0x156: {  	_ =	swait.ge [sflag:s2], $0x1000  }
0x157: {  	[sflag:s2] =	ssyncset.done $0x0  }
0x158: {  	[sflag:s2] =	ssyncadd.s32 $0xFFFFF000;
	_ =	sdelay $0x2  }
0x159: {  	_ =	swait.ge [sflag:s2], $0x1000  }
0x15a: {  	[sflag:s2] =	ssyncset.done $0x0  }
0x15b: {  	[sflag:s2] =	ssyncadd.s32 $0xFFFFF000  }
0x15c: {  	_ =	strace $0x90000046  }
0x15d: {  	_ =	sfence  }
0x15e: {  	s29 =	sld [smem:$0x0];
	_ =	sdelay $0x2  }
0x15f: {  	s3 =	sshll.u32 s1, $0xD;
	s30 =	sshrl.u32 s1, $0x2  }
0x160: {  	s31 =	sand.u32 $0x4000, s3;
	s1 =	sadd.s32 s30, s29  }
0x161: {  	s0 =	sor.u32 s31, s0;
	s1 =	sshll.u32 s1, $0x11  }
0x162: {  	s0 =	sor.u32 s1, s0  }
0x163: {  	s0 =	sadd.s32 $0x8F2B, s0;
	(pc) =	sbr.abs _section_cstart, $3  }
0x164: {  	[sflag:s0] =	ssyncadd.remote.s32 $0x1  }
0x165: {  	_ =	strace $0x9FFFFFFF  }
0x166: {  	(tm) =	ssettm $0x7FFFFFFF  }
0x167: {  	_ =	shalt  }

</sc_bundles>
